<compile_context>
chip_gen: v7x
topology: tpu7x:2x2x1
jax: 0.10.2.dev20260603
libtpu: 0.0.44.dev20260713+nightly
codegen_flags: <defaults>
</compile_context>

<pallas_src>
import functools

import jax
import jax.numpy as jnp
from jax import lax
from jax.experimental import pallas as pl
from jax.experimental.pallas import tpu as pltpu
from jax.experimental.pallas import tpu_sc as plsc

BATCH = 16384
EMB = 64
NROWS = 100000

_NC = 2
_NS = 16
_NW = _NC * _NS
_BPW = BATCH // _NW
_CH = 128
_NCHUNK = _BPW // _CH
_SUB = 2 * _CH

_LB = 24576


def _prep_body(gt, mt, out):
    x = jnp.concatenate([gt[...], mt[...]], axis=0)
    r = lax.broadcasted_iota(jnp.int32, (2 * EMB, 2 * EMB), 0)
    c = lax.broadcasted_iota(jnp.int32, (2 * EMB, 2 * EMB), 1)
    ident = jnp.where(r == c, 1.0, 0.0).astype(jnp.float32)
    out[...] = lax.dot_general(x, ident, (((0,), (0,)), ((), ())),
                               preferred_element_type=jnp.float32)


def _tc_prep(gt, mt):
    grid = (pl.cdiv(NROWS, _LB),)
    return pl.pallas_call(
        _prep_body,
        grid=grid,
        in_specs=[
            pl.BlockSpec((EMB, _LB), lambda i: (0, i)),
            pl.BlockSpec((EMB, _LB), lambda i: (0, i)),
        ],
        out_specs=pl.BlockSpec((_LB, 2 * EMB), lambda i: (i, 0)),
        out_shape=jax.ShapeDtypeStruct((NROWS, 2 * EMB), jnp.float32),
        compiler_params=pltpu.CompilerParams(
            dimension_semantics=("arbitrary",),
            vmem_limit_bytes=60 * 1024 * 1024),
    )(gt, mt)


def _sc_gather(ids3, tab):
    mesh = plsc.VectorSubcoreMesh(core_axis_name="c", subcore_axis_name="s")

    @functools.partial(
        pl.kernel,
        out_type=jax.ShapeDtypeStruct((BATCH, 2 * EMB), jnp.float32),
        mesh=mesh,
        scratch_types=[
            pltpu.VMEM((_NCHUNK, _CH), jnp.int32),
            pltpu.VMEM((_SUB, 2 * EMB), jnp.float32),
            pltpu.VMEM((_SUB, 2 * EMB), jnp.float32),
            pltpu.SemaphoreType.DMA,
            pltpu.SemaphoreType.DMA,
        ],
    )
    def sc_k(ids_h, tab_h, out, iv, rows0, rows1, s0, s1):
        wid = lax.axis_index("s") * _NC + lax.axis_index("c")
        base = wid * _BPW
        pltpu.sync_copy(ids_h.at[wid], iv)
        bufs = (rows0, rows1)
        sems = (s0, s1)

        def fire(h):
            buf, sem = bufs[h % 2], sems[h % 2]
            cs = []
            for j in range(2):
                cs.append(pltpu.async_copy(
                    tab_h.at[iv.at[2 * h + j]],
                    buf.at[pl.ds(j * _CH, _CH)], sem))
            return cs

        pend = [fire(0), fire(1)]
        for h in range(2):
            for c in pend[h]:
                c.wait()
            pltpu.sync_copy(bufs[h],
                            out.at[pl.ds(base + h * _SUB, _SUB)])

    return sc_k(ids3, tab)


_BB = 4096


def _tc_body(ru, ri, w1u, w1i, b1, w2, b2, w3, b3, wog, woh, bo, out):
    u = ru[...]
    v = ri[...]
    h = jnp.dot(u[:, EMB:], w1u[...], preferred_element_type=jnp.float32)
    h = h + jnp.dot(v[:, EMB:], w1i[...], preferred_element_type=jnp.float32)
    h = jnp.maximum(h + b1[...], 0.0)
    h = jnp.maximum(
        jnp.dot(h, w2[...], preferred_element_type=jnp.float32) + b2[...], 0.0)
    h = jnp.maximum(
        jnp.dot(h, w3[...], preferred_element_type=jnp.float32) + b3[...], 0.0)
    g = u[:, :EMB] * v[:, :EMB]
    p = jnp.dot(g, wog[...], preferred_element_type=jnp.float32)
    p = p + jnp.dot(h, woh[...], preferred_element_type=jnp.float32)
    out[...] = p + bo[...]


def _tc_mlp(ru, ri, w1u, w1i, b1, w2, b2, w3, b3, wog, woh, bo):
    grid = (BATCH // _BB,)
    fixed = lambda i: (0, 0)
    row = lambda i: (i, 0)
    in_specs = [
        pl.BlockSpec((_BB, 2 * EMB), row),
        pl.BlockSpec((_BB, 2 * EMB), row),
        pl.BlockSpec(w1u.shape, fixed),
        pl.BlockSpec(w1i.shape, fixed),
        pl.BlockSpec(b1.shape, fixed),
        pl.BlockSpec(w2.shape, fixed),
        pl.BlockSpec(b2.shape, fixed),
        pl.BlockSpec(w3.shape, fixed),
        pl.BlockSpec(b3.shape, fixed),
        pl.BlockSpec(wog.shape, fixed),
        pl.BlockSpec(woh.shape, fixed),
        pl.BlockSpec(bo.shape, fixed),
    ]
    return pl.pallas_call(
        _tc_body,
        grid=grid,
        in_specs=in_specs,
        out_specs=pl.BlockSpec((_BB, 1), row),
        out_shape=jax.ShapeDtypeStruct((BATCH, 1), jnp.float32),
        compiler_params=pltpu.CompilerParams(
            dimension_semantics=("parallel",)),
    )(ru, ri, w1u, w1i, b1, w2, b2, w3, b3, wog, woh, bo)


def kernel(user_ids, item_ids, gmf_user, gmf_item, mlp_user, mlp_item,
           W1, b1, W2, b2, W3, b3, Wo, bo):
    uid3 = user_ids.astype(jnp.int32).reshape(_NW, _NCHUNK, _CH)
    iid3 = item_ids.astype(jnp.int32).reshape(_NW, _NCHUNK, _CH)
    utab = _tc_prep(gmf_user.T, mlp_user.T)
    ru = _sc_gather(uid3, utab)
    itab = _tc_prep(gmf_item.T, mlp_item.T)
    ri = _sc_gather(iid3, itab)
    pred = _tc_mlp(
        ru, ri,
        W1[:EMB], W1[EMB:], b1.reshape(1, -1),
        W2, b2.reshape(1, -1),
        W3, b3.reshape(1, -1),
        Wo[:EMB], Wo[EMB:], bo.reshape(1, 1),
    )
    return pred[:, 0]

# --- scband reference (transcript-rebuilt; emitter-appended) ---
"""Pipeline reference for scband-neural-matrix-factorization-69750268887210 (READ-ONLY COPY).

The authoritative reference and input builder live on the scoring server;
editing this copy changes nothing except your own understanding.
"""

import jax, jax.numpy as jnp
import numpy as np

N_USERS = 100000
N_ITEMS = 100000
EMB = 64
BATCH = 16384
HIDDEN = (128, 64, 32)


def setup_inputs(seed: int = 0) -> dict:
    key = jax.random.key(seed)
    ks = jax.random.split(key, 16)
    user_ids = jax.random.randint(ks[0], (BATCH,), 0, N_USERS, dtype=jnp.int64 if jax.config.jax_enable_x64 else jnp.int32)
    item_ids = jax.random.randint(ks[1], (BATCH,), 0, N_ITEMS, dtype=jnp.int64 if jax.config.jax_enable_x64 else jnp.int32)
    gmf_user = jax.random.normal(ks[2], (N_USERS, EMB), dtype=jnp.float32) * 0.01
    gmf_item = jax.random.normal(ks[3], (N_ITEMS, EMB), dtype=jnp.float32) * 0.01
    mlp_user = jax.random.normal(ks[4], (N_USERS, EMB), dtype=jnp.float32) * 0.01
    mlp_item = jax.random.normal(ks[5], (N_ITEMS, EMB), dtype=jnp.float32) * 0.01
    # MLP: 128 -> 128 -> 64 -> 32; output: (64 + 32) -> 1
    def lin(k, fan_in, fan_out):
        bound = 1.0 / np.sqrt(fan_in)
        kw, kb = jax.random.split(k)
        W = jax.random.uniform(kw, (fan_in, fan_out), minval=-bound, maxval=bound, dtype=jnp.float32)
        b = jax.random.uniform(kb, (fan_out,), minval=-bound, maxval=bound, dtype=jnp.float32)
        return W, b
    W1, b1 = lin(ks[6], 2 * EMB, HIDDEN[0])
    W2, b2 = lin(ks[7], HIDDEN[0], HIDDEN[1])
    W3, b3 = lin(ks[8], HIDDEN[1], HIDDEN[2])
    Wo, bo = lin(ks[9], EMB + HIDDEN[2], 1)
    return {"user_ids": user_ids, "item_ids": item_ids,
            "gmf_user": gmf_user, "gmf_item": gmf_item,
            "mlp_user": mlp_user, "mlp_item": mlp_item,
            "W1": W1, "b1": b1, "W2": W2, "b2": b2,
            "W3": W3, "b3": b3, "Wo": Wo, "bo": bo}


def reference(user_ids, item_ids, gmf_user, gmf_item, mlp_user, mlp_item,
              W1, b1, W2, b2, W3, b3, Wo, bo):
    # GMF branch: elementwise product of embeddings (gathers)
    gmf_u = jnp.take(gmf_user, user_ids, axis=0)
    gmf_i = jnp.take(gmf_item, item_ids, axis=0)
    gmf_out = gmf_u * gmf_i
    # MLP branch (dropout is identity at inference)
    mlp_u = jnp.take(mlp_user, user_ids, axis=0)
    mlp_i = jnp.take(mlp_item, item_ids, axis=0)
    h = jnp.concatenate([mlp_u, mlp_i], axis=1)
    h = jax.nn.relu(h @ W1 + b1)
    h = jax.nn.relu(h @ W2 + b2)
    h = jax.nn.relu(h @ W3 + b3)
    combined = jnp.concatenate([gmf_out, h], axis=1)
    prediction = (combined @ Wo + bo).squeeze(-1)
    return prediction

if __name__ == "__main__":
    import jax
    _d = setup_inputs()
    print(jax.jit(kernel)(*tuple(_d.values())))

</pallas_src>

<mosaic_0001>
#map = affine_map<(d0, d1) -> (0, 0, 0)>
#map1 = affine_map<(d0, d1) -> (0, 0)>
module attributes {stable_mosaic.version = 14 : i64} {
  func.func @sc_k(%arg0: i32, %arg1: i32, %arg2: memref<32x4x128xi32, #tpu.memory_space<hbm>>, %arg3: memref<100000x128xf32, #tpu.memory_space<hbm>>, %arg4: memref<16384x128xf32, #tpu.memory_space<hbm>>, %arg5: memref<4x128xi32, #tpu.memory_space<vmem>>, %arg6: memref<256x128xf32, #tpu.memory_space<vmem>>, %arg7: memref<256x128xf32, #tpu.memory_space<vmem>>, %arg8: memref<!tpu.dma_semaphore, #tpu.memory_space<semaphore_mem>>, %arg9: memref<!tpu.dma_semaphore, #tpu.memory_space<semaphore_mem>>) attributes {dimension_semantics = [#tpu.dimension_semantics<core_parallel>, #tpu.dimension_semantics<subcore_parallel>], iteration_bounds = array<i64: 2, 16>, scalar_prefetch = 0 : i64, scratch_operands = 5 : i64, tpu.core_type = #tpu.core_type<sc_vector_subcore>, window_params = [{transform_indices = #map}, {transform_indices = #map1}, {transform_indices = #map1}]} {
    %mul3A = arith.constant 2 : i32
    %mul3A_0 = arith.muli %arg1, %mul3A : i32
    %add3A = arith.addi %mul3A_0, %arg0 : i32
    %mul3A_1 = arith.constant 512 : i32
    %mul3A_2 = arith.muli %add3A, %mul3A_1 : i32
    "tpu.region"() ({
      %run_scoped3A = tpu.sem_alloc : memref<!tpu.dma_semaphore, #tpu.memory_space<semaphore_mem>>
      %dma_start3A_85 = arith.constant 0 : i32
      %dma_start3A_86 = arith.constant 0 : i32
      %dma_start3A_87 = tpu.memref_slice %arg2[%add3A, %dma_start3A_85, %dma_start3A_86] : memref<32x4x128xi32, #tpu.memory_space<hbm>> -> memref<1x4x128xi32, #tpu.memory_space<hbm>>
      %dma_start3A_88 = tpu.memref_squeeze %dma_start3A_87 : memref<1x4x128xi32, #tpu.memory_space<hbm>> -> memref<4x128xi32, #tpu.memory_space<hbm>>
      %dma_start3A_89 = arith.constant 0 : i32
      %dma_start3A_90 = arith.constant 0 : i32
      %dma_start3A_91 = tpu.memref_slice %arg2[%add3A, %dma_start3A_89, %dma_start3A_90] : memref<32x4x128xi32, #tpu.memory_space<hbm>> -> memref<1x4x128xi32, #tpu.memory_space<hbm>>
      %dma_start3A_92 = tpu.memref_squeeze %dma_start3A_91 : memref<1x4x128xi32, #tpu.memory_space<hbm>> -> memref<4x128xi32, #tpu.memory_space<hbm>>
      tpu.enqueue_dma source(%dma_start3A_92 : memref<4x128xi32, #tpu.memory_space<hbm>>) target(%arg5 : memref<4x128xi32, #tpu.memory_space<vmem>>) target_semaphore(%run_scoped3A : memref<!tpu.dma_semaphore, #tpu.memory_space<semaphore_mem>>)
      %dma_wait3A_93 = arith.constant 0 : i32
      %dma_wait3A_94 = arith.constant 0 : i32
      %dma_wait3A_95 = tpu.memref_slice %arg2[%add3A, %dma_wait3A_93, %dma_wait3A_94] : memref<32x4x128xi32, #tpu.memory_space<hbm>> -> memref<1x4x128xi32, #tpu.memory_space<hbm>>
      %dma_wait3A_96 = tpu.memref_squeeze %dma_wait3A_95 : memref<1x4x128xi32, #tpu.memory_space<hbm>> -> memref<4x128xi32, #tpu.memory_space<hbm>>
      %dma_wait3A_97 = arith.constant 0 : i32
      %dma_wait3A_98 = arith.constant 0 : i32
      %dma_wait3A_99 = tpu.memref_slice %arg2[%add3A, %dma_wait3A_97, %dma_wait3A_98] : memref<32x4x128xi32, #tpu.memory_space<hbm>> -> memref<1x4x128xi32, #tpu.memory_space<hbm>>
      %dma_wait3A_100 = tpu.memref_squeeze %dma_wait3A_99 : memref<1x4x128xi32, #tpu.memory_space<hbm>> -> memref<4x128xi32, #tpu.memory_space<hbm>>
      tpu.wait_dma2 semaphore(%run_scoped3A : memref<!tpu.dma_semaphore, #tpu.memory_space<semaphore_mem>>) src(%dma_wait3A_100 : memref<4x128xi32, #tpu.memory_space<hbm>>) dst(%arg5 : memref<4x128xi32, #tpu.memory_space<vmem>>)
      tpu.yield
    }) : () -> ()
    %dma_start3A = arith.constant 0 : i32
    %dma_start3A_3 = arith.constant 0 : i32
    %dma_start3A_4 = arith.constant 0 : i32
    %dma_start3A_5 = tpu.memref_slice %arg6[%dma_start3A_3, %dma_start3A_4] : memref<256x128xf32, #tpu.memory_space<vmem>> -> memref<128x128xf32, #tpu.memory_space<vmem>>
    %dma_start3A_6 = arith.constant 0 : i32
    %dma_start3A_7 = tpu.memref_slice %arg5[%dma_start3A, %dma_start3A_6] : memref<4x128xi32, #tpu.memory_space<vmem>> -> memref<1x128xi32, #tpu.memory_space<vmem>>
    %dma_start3A_8 = tpu.memref_squeeze %dma_start3A_7 : memref<1x128xi32, #tpu.memory_space<vmem>> -> memref<128xi32, #tpu.memory_space<vmem>>
    %dma_start3A_9 = arith.constant 0 : i32
    %dma_start3A_10 = arith.constant 0 : i32
    %dma_start3A_11 = tpu.memref_slice %arg3[%dma_start3A_9, %dma_start3A_10] : memref<100000x128xf32, #tpu.memory_space<hbm>> -> memref<100000x128xf32, #tpu.memory_space<hbm>>
    tpu.enqueue_indirect_dma source(%dma_start3A_11 : memref<100000x128xf32, #tpu.memory_space<hbm>>) target(%dma_start3A_5 : memref<128x128xf32, #tpu.memory_space<vmem>>) offsets(%dma_start3A_8 : memref<128xi32, #tpu.memory_space<vmem>>) semaphore(%arg8 : memref<!tpu.dma_semaphore, #tpu.memory_space<semaphore_mem>>)
    %dma_start3A_12 = arith.constant 1 : i32
    %dma_start3A_13 = arith.constant 128 : i32
    %dma_start3A_14 = arith.constant 0 : i32
    %dma_start3A_15 = tpu.memref_slice %arg6[%dma_start3A_13, %dma_start3A_14] : memref<256x128xf32, #tpu.memory_space<vmem>> -> memref<128x128xf32, #tpu.memory_space<vmem>>
    %dma_start3A_16 = arith.constant 0 : i32
    %dma_start3A_17 = tpu.memref_slice %arg5[%dma_start3A_12, %dma_start3A_16] : memref<4x128xi32, #tpu.memory_space<vmem>> -> memref<1x128xi32, #tpu.memory_space<vmem>>
    %dma_start3A_18 = tpu.memref_squeeze %dma_start3A_17 : memref<1x128xi32, #tpu.memory_space<vmem>> -> memref<128xi32, #tpu.memory_space<vmem>>
    %dma_start3A_19 = arith.constant 0 : i32
    %dma_start3A_20 = arith.constant 0 : i32
    %dma_start3A_21 = tpu.memref_slice %arg3[%dma_start3A_19, %dma_start3A_20] : memref<100000x128xf32, #tpu.memory_space<hbm>> -> memref<100000x128xf32, #tpu.memory_space<hbm>>
    tpu.enqueue_indirect_dma source(%dma_start3A_21 : memref<100000x128xf32, #tpu.memory_space<hbm>>) target(%dma_start3A_15 : memref<128x128xf32, #tpu.memory_space<vmem>>) offsets(%dma_start3A_18 : memref<128xi32, #tpu.memory_space<vmem>>) semaphore(%arg8 : memref<!tpu.dma_semaphore, #tpu.memory_space<semaphore_mem>>)
    %dma_start3A_22 = arith.constant 2 : i32
    %dma_start3A_23 = arith.constant 0 : i32
    %dma_start3A_24 = arith.constant 0 : i32
    %dma_start3A_25 = tpu.memref_slice %arg7[%dma_start3A_23, %dma_start3A_24] : memref<256x128xf32, #tpu.memory_space<vmem>> -> memref<128x128xf32, #tpu.memory_space<vmem>>
    %dma_start3A_26 = arith.constant 0 : i32
    %dma_start3A_27 = tpu.memref_slice %arg5[%dma_start3A_22, %dma_start3A_26] : memref<4x128xi32, #tpu.memory_space<vmem>> -> memref<1x128xi32, #tpu.memory_space<vmem>>
    %dma_start3A_28 = tpu.memref_squeeze %dma_start3A_27 : memref<1x128xi32, #tpu.memory_space<vmem>> -> memref<128xi32, #tpu.memory_space<vmem>>
    %dma_start3A_29 = arith.constant 0 : i32
    %dma_start3A_30 = arith.constant 0 : i32
    %dma_start3A_31 = tpu.memref_slice %arg3[%dma_start3A_29, %dma_start3A_30] : memref<100000x128xf32, #tpu.memory_space<hbm>> -> memref<100000x128xf32, #tpu.memory_space<hbm>>
    tpu.enqueue_indirect_dma source(%dma_start3A_31 : memref<100000x128xf32, #tpu.memory_space<hbm>>) target(%dma_start3A_25 : memref<128x128xf32, #tpu.memory_space<vmem>>) offsets(%dma_start3A_28 : memref<128xi32, #tpu.memory_space<vmem>>) semaphore(%arg9 : memref<!tpu.dma_semaphore, #tpu.memory_space<semaphore_mem>>)
    %dma_start3A_32 = arith.constant 3 : i32
    %dma_start3A_33 = arith.constant 128 : i32
    %dma_start3A_34 = arith.constant 0 : i32
    %dma_start3A_35 = tpu.memref_slice %arg7[%dma_start3A_33, %dma_start3A_34] : memref<256x128xf32, #tpu.memory_space<vmem>> -> memref<128x128xf32, #tpu.memory_space<vmem>>
    %dma_start3A_36 = arith.constant 0 : i32
    %dma_start3A_37 = tpu.memref_slice %arg5[%dma_start3A_32, %dma_start3A_36] : memref<4x128xi32, #tpu.memory_space<vmem>> -> memref<1x128xi32, #tpu.memory_space<vmem>>
    %dma_start3A_38 = tpu.memref_squeeze %dma_start3A_37 : memref<1x128xi32, #tpu.memory_space<vmem>> -> memref<128xi32, #tpu.memory_space<vmem>>
    %dma_start3A_39 = arith.constant 0 : i32
    %dma_start3A_40 = arith.constant 0 : i32
    %dma_start3A_41 = tpu.memref_slice %arg3[%dma_start3A_39, %dma_start3A_40] : memref<100000x128xf32, #tpu.memory_space<hbm>> -> memref<100000x128xf32, #tpu.memory_space<hbm>>
    tpu.enqueue_indirect_dma source(%dma_start3A_41 : memref<100000x128xf32, #tpu.memory_space<hbm>>) target(%dma_start3A_35 : memref<128x128xf32, #tpu.memory_space<vmem>>) offsets(%dma_start3A_38 : memref<128xi32, #tpu.memory_space<vmem>>) semaphore(%arg9 : memref<!tpu.dma_semaphore, #tpu.memory_space<semaphore_mem>>)
    %dma_wait3A = arith.constant 0 : i32
    %dma_wait3A_42 = arith.constant 0 : i32
    %dma_wait3A_43 = arith.constant 0 : i32
    %dma_wait3A_44 = tpu.memref_slice %arg6[%dma_wait3A_42, %dma_wait3A_43] : memref<256x128xf32, #tpu.memory_space<vmem>> -> memref<128x128xf32, #tpu.memory_space<vmem>>
    %dma_wait3A_45 = arith.constant 0 : i32
    %dma_wait3A_46 = tpu.memref_slice %arg5[%dma_wait3A, %dma_wait3A_45] : memref<4x128xi32, #tpu.memory_space<vmem>> -> memref<1x128xi32, #tpu.memory_space<vmem>>
    %dma_wait3A_47 = tpu.memref_squeeze %dma_wait3A_46 : memref<1x128xi32, #tpu.memory_space<vmem>> -> memref<128xi32, #tpu.memory_space<vmem>>
    %dma_wait3A_48 = arith.constant 0 : i32
    %dma_wait3A_49 = arith.constant 0 : i32
    %dma_wait3A_50 = tpu.memref_slice %arg3[%dma_wait3A_48, %dma_wait3A_49] : memref<100000x128xf32, #tpu.memory_space<hbm>> -> memref<100000x128xf32, #tpu.memory_space<hbm>>
    tpu.wait_indirect_dma semaphore(%arg8 : memref<!tpu.dma_semaphore, #tpu.memory_space<semaphore_mem>>) src(%dma_wait3A_50 : memref<100000x128xf32, #tpu.memory_space<hbm>>) dst(%dma_wait3A_44 : memref<128x128xf32, #tpu.memory_space<vmem>>)
    %dma_wait3A_51 = arith.constant 1 : i32
    %dma_wait3A_52 = arith.constant 128 : i32
    %dma_wait3A_53 = arith.constant 0 : i32
    %dma_wait3A_54 = tpu.memref_slice %arg6[%dma_wait3A_52, %dma_wait3A_53] : memref<256x128xf32, #tpu.memory_space<vmem>> -> memref<128x128xf32, #tpu.memory_space<vmem>>
    %dma_wait3A_55 = arith.constant 0 : i32
    %dma_wait3A_56 = tpu.memref_slice %arg5[%dma_wait3A_51, %dma_wait3A_55] : memref<4x128xi32, #tpu.memory_space<vmem>> -> memref<1x128xi32, #tpu.memory_space<vmem>>
    %dma_wait3A_57 = tpu.memref_squeeze %dma_wait3A_56 : memref<1x128xi32, #tpu.memory_space<vmem>> -> memref<128xi32, #tpu.memory_space<vmem>>
    %dma_wait3A_58 = arith.constant 0 : i32
    %dma_wait3A_59 = arith.constant 0 : i32
    %dma_wait3A_60 = tpu.memref_slice %arg3[%dma_wait3A_58, %dma_wait3A_59] : memref<100000x128xf32, #tpu.memory_space<hbm>> -> memref<100000x128xf32, #tpu.memory_space<hbm>>
    tpu.wait_indirect_dma semaphore(%arg8 : memref<!tpu.dma_semaphore, #tpu.memory_space<semaphore_mem>>) src(%dma_wait3A_60 : memref<100000x128xf32, #tpu.memory_space<hbm>>) dst(%dma_wait3A_54 : memref<128x128xf32, #tpu.memory_space<vmem>>)
    %add3A_61 = arith.constant 0 : i32
    %add3A_62 = arith.addi %mul3A_2, %add3A_61 : i32
    "tpu.region"() ({
      %run_scoped3A = tpu.sem_alloc : memref<!tpu.dma_semaphore, #tpu.memory_space<semaphore_mem>>
      %dma_start3A_85 = arith.constant 0 : i32
      %dma_start3A_86 = tpu.memref_slice %arg4[%add3A_62, %dma_start3A_85] : memref<16384x128xf32, #tpu.memory_space<hbm>> -> memref<256x128xf32, #tpu.memory_space<hbm>>
      %dma_start3A_87 = arith.constant 0 : i32
      %dma_start3A_88 = tpu.memref_slice %arg4[%add3A_62, %dma_start3A_87] : memref<16384x128xf32, #tpu.memory_space<hbm>> -> memref<256x128xf32, #tpu.memory_space<hbm>>
      tpu.enqueue_dma source(%arg6 : memref<256x128xf32, #tpu.memory_space<vmem>>) target(%dma_start3A_88 : memref<256x128xf32, #tpu.memory_space<hbm>>) target_semaphore(%run_scoped3A : memref<!tpu.dma_semaphore, #tpu.memory_space<semaphore_mem>>)
      %dma_wait3A_89 = arith.constant 0 : i32
      %dma_wait3A_90 = tpu.memref_slice %arg4[%add3A_62, %dma_wait3A_89] : memref<16384x128xf32, #tpu.memory_space<hbm>> -> memref<256x128xf32, #tpu.memory_space<hbm>>
      %dma_wait3A_91 = arith.constant 0 : i32
      %dma_wait3A_92 = tpu.memref_slice %arg4[%add3A_62, %dma_wait3A_91] : memref<16384x128xf32, #tpu.memory_space<hbm>> -> memref<256x128xf32, #tpu.memory_space<hbm>>
      tpu.wait_dma2 semaphore(%run_scoped3A : memref<!tpu.dma_semaphore, #tpu.memory_space<semaphore_mem>>) src(%arg6 : memref<256x128xf32, #tpu.memory_space<vmem>>) dst(%dma_wait3A_92 : memref<256x128xf32, #tpu.memory_space<hbm>>)
      tpu.yield
    }) : () -> ()
    %dma_wait3A_63 = arith.constant 2 : i32
    %dma_wait3A_64 = arith.constant 0 : i32
    %dma_wait3A_65 = arith.constant 0 : i32
    %dma_wait3A_66 = tpu.memref_slice %arg7[%dma_wait3A_64, %dma_wait3A_65] : memref<256x128xf32, #tpu.memory_space<vmem>> -> memref<128x128xf32, #tpu.memory_space<vmem>>
    %dma_wait3A_67 = arith.constant 0 : i32
    %dma_wait3A_68 = tpu.memref_slice %arg5[%dma_wait3A_63, %dma_wait3A_67] : memref<4x128xi32, #tpu.memory_space<vmem>> -> memref<1x128xi32, #tpu.memory_space<vmem>>
    %dma_wait3A_69 = tpu.memref_squeeze %dma_wait3A_68 : memref<1x128xi32, #tpu.memory_space<vmem>> -> memref<128xi32, #tpu.memory_space<vmem>>
    %dma_wait3A_70 = arith.constant 0 : i32
    %dma_wait3A_71 = arith.constant 0 : i32
    %dma_wait3A_72 = tpu.memref_slice %arg3[%dma_wait3A_70, %dma_wait3A_71] : memref<100000x128xf32, #tpu.memory_space<hbm>> -> memref<100000x128xf32, #tpu.memory_space<hbm>>
    tpu.wait_indirect_dma semaphore(%arg9 : memref<!tpu.dma_semaphore, #tpu.memory_space<semaphore_mem>>) src(%dma_wait3A_72 : memref<100000x128xf32, #tpu.memory_space<hbm>>) dst(%dma_wait3A_66 : memref<128x128xf32, #tpu.memory_space<vmem>>)
    %dma_wait3A_73 = arith.constant 3 : i32
    %dma_wait3A_74 = arith.constant 128 : i32
    %dma_wait3A_75 = arith.constant 0 : i32
    %dma_wait3A_76 = tpu.memref_slice %arg7[%dma_wait3A_74, %dma_wait3A_75] : memref<256x128xf32, #tpu.memory_space<vmem>> -> memref<128x128xf32, #tpu.memory_space<vmem>>
    %dma_wait3A_77 = arith.constant 0 : i32
    %dma_wait3A_78 = tpu.memref_slice %arg5[%dma_wait3A_73, %dma_wait3A_77] : memref<4x128xi32, #tpu.memory_space<vmem>> -> memref<1x128xi32, #tpu.memory_space<vmem>>
    %dma_wait3A_79 = tpu.memref_squeeze %dma_wait3A_78 : memref<1x128xi32, #tpu.memory_space<vmem>> -> memref<128xi32, #tpu.memory_space<vmem>>
    %dma_wait3A_80 = arith.constant 0 : i32
    %dma_wait3A_81 = arith.constant 0 : i32
    %dma_wait3A_82 = tpu.memref_slice %arg3[%dma_wait3A_80, %dma_wait3A_81] : memref<100000x128xf32, #tpu.memory_space<hbm>> -> memref<100000x128xf32, #tpu.memory_space<hbm>>
    tpu.wait_indirect_dma semaphore(%arg9 : memref<!tpu.dma_semaphore, #tpu.memory_space<semaphore_mem>>) src(%dma_wait3A_82 : memref<100000x128xf32, #tpu.memory_space<hbm>>) dst(%dma_wait3A_76 : memref<128x128xf32, #tpu.memory_space<vmem>>)
    %add3A_83 = arith.constant 256 : i32
    %add3A_84 = arith.addi %mul3A_2, %add3A_83 : i32
    "tpu.region"() ({
      %run_scoped3A = tpu.sem_alloc : memref<!tpu.dma_semaphore, #tpu.memory_space<semaphore_mem>>
      %dma_start3A_85 = arith.constant 0 : i32
      %dma_start3A_86 = tpu.memref_slice %arg4[%add3A_84, %dma_start3A_85] : memref<16384x128xf32, #tpu.memory_space<hbm>> -> memref<256x128xf32, #tpu.memory_space<hbm>>
      %dma_start3A_87 = arith.constant 0 : i32
      %dma_start3A_88 = tpu.memref_slice %arg4[%add3A_84, %dma_start3A_87] : memref<16384x128xf32, #tpu.memory_space<hbm>> -> memref<256x128xf32, #tpu.memory_space<hbm>>
      tpu.enqueue_dma source(%arg7 : memref<256x128xf32, #tpu.memory_space<vmem>>) target(%dma_start3A_88 : memref<256x128xf32, #tpu.memory_space<hbm>>) target_semaphore(%run_scoped3A : memref<!tpu.dma_semaphore, #tpu.memory_space<semaphore_mem>>)
      %dma_wait3A_89 = arith.constant 0 : i32
      %dma_wait3A_90 = tpu.memref_slice %arg4[%add3A_84, %dma_wait3A_89] : memref<16384x128xf32, #tpu.memory_space<hbm>> -> memref<256x128xf32, #tpu.memory_space<hbm>>
      %dma_wait3A_91 = arith.constant 0 : i32
      %dma_wait3A_92 = tpu.memref_slice %arg4[%add3A_84, %dma_wait3A_91] : memref<16384x128xf32, #tpu.memory_space<hbm>> -> memref<256x128xf32, #tpu.memory_space<hbm>>
      tpu.wait_dma2 semaphore(%run_scoped3A : memref<!tpu.dma_semaphore, #tpu.memory_space<semaphore_mem>>) src(%arg7 : memref<256x128xf32, #tpu.memory_space<vmem>>) dst(%dma_wait3A_92 : memref<256x128xf32, #tpu.memory_space<hbm>>)
      tpu.yield
    }) : () -> ()
    return
  }
}

#map = affine_map<(d0, d1) -> (0, 0, 0)>
#map1 = affine_map<(d0, d1) -> (0, 0)>
module attributes {stable_mosaic.version = 14 : i64} {
  func.func @sc_k(%arg0: i32, %arg1: i32, %arg2: memref<32x4x128xi32, #tpu.memory_space<hbm>>, %arg3: memref<100000x128xf32, #tpu.memory_space<hbm>>, %arg4: memref<16384x128xf32, #tpu.memory_space<hbm>>, %arg5: memref<4x128xi32, #tpu.memory_space<vmem>>, %arg6: memref<256x128xf32, #tpu.memory_space<vmem>>, %arg7: memref<256x128xf32, #tpu.memory_space<vmem>>, %arg8: memref<!tpu.dma_semaphore, #tpu.memory_space<semaphore_mem>>, %arg9: memref<!tpu.dma_semaphore, #tpu.memory_space<semaphore_mem>>) attributes {dimension_semantics = [#tpu.dimension_semantics<core_parallel>, #tpu.dimension_semantics<subcore_parallel>], iteration_bounds = array<i64: 2, 16>, scalar_prefetch = 0 : i64, scratch_operands = 5 : i64, tpu.core_type = #tpu.core_type<sc_vector_subcore>, window_params = [{transform_indices = #map}, {transform_indices = #map1}, {transform_indices = #map1}]} {
    %mul3A = arith.constant 2 : i32
    %mul3A_0 = arith.muli %arg1, %mul3A : i32
    %add3A = arith.addi %mul3A_0, %arg0 : i32
    %mul3A_1 = arith.constant 512 : i32
    %mul3A_2 = arith.muli %add3A, %mul3A_1 : i32
    "tpu.region"() ({
      %run_scoped3A = tpu.sem_alloc : memref<!tpu.dma_semaphore, #tpu.memory_space<semaphore_mem>>
      %dma_start3A_85 = arith.constant 0 : i32
      %dma_start3A_86 = arith.constant 0 : i32
      %dma_start3A_87 = tpu.memref_slice %arg2[%add3A, %dma_start3A_85, %dma_start3A_86] : memref<32x4x128xi32, #tpu.memory_space<hbm>> -> memref<1x4x128xi32, #tpu.memory_space<hbm>>
      %dma_start3A_88 = tpu.memref_squeeze %dma_start3A_87 : memref<1x4x128xi32, #tpu.memory_space<hbm>> -> memref<4x128xi32, #tpu.memory_space<hbm>>
      %dma_start3A_89 = arith.constant 0 : i32
      %dma_start3A_90 = arith.constant 0 : i32
      %dma_start3A_91 = tpu.memref_slice %arg2[%add3A, %dma_start3A_89, %dma_start3A_90] : memref<32x4x128xi32, #tpu.memory_space<hbm>> -> memref<1x4x128xi32, #tpu.memory_space<hbm>>
      %dma_start3A_92 = tpu.memref_squeeze %dma_start3A_91 : memref<1x4x128xi32, #tpu.memory_space<hbm>> -> memref<4x128xi32, #tpu.memory_space<hbm>>
      tpu.enqueue_dma source(%dma_start3A_92 : memref<4x128xi32, #tpu.memory_space<hbm>>) target(%arg5 : memref<4x128xi32, #tpu.memory_space<vmem>>) target_semaphore(%run_scoped3A : memref<!tpu.dma_semaphore, #tpu.memory_space<semaphore_mem>>)
      %dma_wait3A_93 = arith.constant 0 : i32
      %dma_wait3A_94 = arith.constant 0 : i32
      %dma_wait3A_95 = tpu.memref_slice %arg2[%add3A, %dma_wait3A_93, %dma_wait3A_94] : memref<32x4x128xi32, #tpu.memory_space<hbm>> -> memref<1x4x128xi32, #tpu.memory_space<hbm>>
      %dma_wait3A_96 = tpu.memref_squeeze %dma_wait3A_95 : memref<1x4x128xi32, #tpu.memory_space<hbm>> -> memref<4x128xi32, #tpu.memory_space<hbm>>
      %dma_wait3A_97 = arith.constant 0 : i32
      %dma_wait3A_98 = arith.constant 0 : i32
      %dma_wait3A_99 = tpu.memref_slice %arg2[%add3A, %dma_wait3A_97, %dma_wait3A_98] : memref<32x4x128xi32, #tpu.memory_space<hbm>> -> memref<1x4x128xi32, #tpu.memory_space<hbm>>
      %dma_wait3A_100 = tpu.memref_squeeze %dma_wait3A_99 : memref<1x4x128xi32, #tpu.memory_space<hbm>> -> memref<4x128xi32, #tpu.memory_space<hbm>>
      tpu.wait_dma2 semaphore(%run_scoped3A : memref<!tpu.dma_semaphore, #tpu.memory_space<semaphore_mem>>) src(%dma_wait3A_100 : memref<4x128xi32, #tpu.memory_space<hbm>>) dst(%arg5 : memref<4x128xi32, #tpu.memory_space<vmem>>)
      tpu.yield
    }) : () -> ()
    %dma_start3A = arith.constant 0 : i32
    %dma_start3A_3 = arith.constant 0 : i32
    %dma_start3A_4 = arith.constant 0 : i32
    %dma_start3A_5 = tpu.memref_slice %arg6[%dma_start3A_3, %dma_start3A_4] : memref<256x128xf32, #tpu.memory_space<vmem>> -> memref<128x128xf32, #tpu.memory_space<vmem>>
    %dma_start3A_6 = arith.constant 0 : i32
    %dma_start3A_7 = tpu.memref_slice %arg5[%dma_start3A, %dma_start3A_6] : memref<4x128xi32, #tpu.memory_space<vmem>> -> memref<1x128xi32, #tpu.memory_space<vmem>>
    %dma_start3A_8 = tpu.memref_squeeze %dma_start3A_7 : memref<1x128xi32, #tpu.memory_space<vmem>> -> memref<128xi32, #tpu.memory_space<vmem>>
    %dma_start3A_9 = arith.constant 0 : i32
    %dma_start3A_10 = arith.constant 0 : i32
    %dma_start3A_11 = tpu.memref_slice %arg3[%dma_start3A_9, %dma_start3A_10] : memref<100000x128xf32, #tpu.memory_space<hbm>> -> memref<100000x128xf32, #tpu.memory_space<hbm>>
    tpu.enqueue_indirect_dma source(%dma_start3A_11 : memref<100000x128xf32, #tpu.memory_space<hbm>>) target(%dma_start3A_5 : memref<128x128xf32, #tpu.memory_space<vmem>>) offsets(%dma_start3A_8 : memref<128xi32, #tpu.memory_space<vmem>>) semaphore(%arg8 : memref<!tpu.dma_semaphore, #tpu.memory_space<semaphore_mem>>)
    %dma_start3A_12 = arith.constant 1 : i32
    %dma_start3A_13 = arith.constant 128 : i32
    %dma_start3A_14 = arith.constant 0 : i32
    %dma_start3A_15 = tpu.memref_slice %arg6[%dma_start3A_13, %dma_start3A_14] : memref<256x128xf32, #tpu.memory_space<vmem>> -> memref<128x128xf32, #tpu.memory_space<vmem>>
    %dma_start3A_16 = arith.constant 0 : i32
    %dma_start3A_17 = tpu.memref_slice %arg5[%dma_start3A_12, %dma_start3A_16] : memref<4x128xi32, #tpu.memory_space<vmem>> -> memref<1x128xi32, #tpu.memory_space<vmem>>
    %dma_start3A_18 = tpu.memref_squeeze %dma_start3A_17 : memref<1x128xi32, #tpu.memory_space<vmem>> -> memref<128xi32, #tpu.memory_space<vmem>>
    %dma_start3A_19 = arith.constant 0 : i32
    %dma_start3A_20 = arith.constant 0 : i32
    %dma_start3A_21 = tpu.memref_slice %arg3[%dma_start3A_19, %dma_start3A_20] : memref<100000x128xf32, #tpu.memory_space<hbm>> -> memref<100000x128xf32, #tpu.memory_space<hbm>>
    tpu.enqueue_indirect_dma source(%dma_start3A_21 : memref<100000x128xf32, #tpu.memory_space<hbm>>) target(%dma_start3A_15 : memref<128x128xf32, #tpu.memory_space<vmem>>) offsets(%dma_start3A_18 : memref<128xi32, #tpu.memory_space<vmem>>) semaphore(%arg8 : memref<!tpu.dma_semaphore, #tpu.memory_space<semaphore_mem>>)
    %dma_start3A_22 = arith.constant 2 : i32
    %dma_start3A_23 = arith.constant 0 : i32
    %dma_start3A_24 = arith.constant 0 : i32
    %dma_start3A_25 = tpu.memref_slice %arg7[%dma_start3A_23, %dma_start3A_24] : memref<256x128xf32, #tpu.memory_space<vmem>> -> memref<128x128xf32, #tpu.memory_space<vmem>>
    %dma_start3A_26 = arith.constant 0 : i32
    %dma_start3A_27 = tpu.memref_slice %arg5[%dma_start3A_22, %dma_start3A_26] : memref<4x128xi32, #tpu.memory_space<vmem>> -> memref<1x128xi32, #tpu.memory_space<vmem>>
    %dma_start3A_28 = tpu.memref_squeeze %dma_start3A_27 : memref<1x128xi32, #tpu.memory_space<vmem>> -> memref<128xi32, #tpu.memory_space<vmem>>
    %dma_start3A_29 = arith.constant 0 : i32
    %dma_start3A_30 = arith.constant 0 : i32
    %dma_start3A_31 = tpu.memref_slice %arg3[%dma_start3A_29, %dma_start3A_30] : memref<100000x128xf32, #tpu.memory_space<hbm>> -> memref<100000x128xf32, #tpu.memory_space<hbm>>
    tpu.enqueue_indirect_dma source(%dma_start3A_31 : memref<100000x128xf32, #tpu.memory_space<hbm>>) target(%dma_start3A_25 : memref<128x128xf32, #tpu.memory_space<vmem>>) offsets(%dma_start3A_28 : memref<128xi32, #tpu.memory_space<vmem>>) semaphore(%arg9 : memref<!tpu.dma_semaphore, #tpu.memory_space<semaphore_mem>>)
    %dma_start3A_32 = arith.constant 3 : i32
    %dma_start3A_33 = arith.constant 128 : i32
    %dma_start3A_34 = arith.constant 0 : i32
    %dma_start3A_35 = tpu.memref_slice %arg7[%dma_start3A_33, %dma_start3A_34] : memref<256x128xf32, #tpu.memory_space<vmem>> -> memref<128x128xf32, #tpu.memory_space<vmem>>
    %dma_start3A_36 = arith.constant 0 : i32
    %dma_start3A_37 = tpu.memref_slice %arg5[%dma_start3A_32, %dma_start3A_36] : memref<4x128xi32, #tpu.memory_space<vmem>> -> memref<1x128xi32, #tpu.memory_space<vmem>>
    %dma_start3A_38 = tpu.memref_squeeze %dma_start3A_37 : memref<1x128xi32, #tpu.memory_space<vmem>> -> memref<128xi32, #tpu.memory_space<vmem>>
    %dma_start3A_39 = arith.constant 0 : i32
    %dma_start3A_40 = arith.constant 0 : i32
    %dma_start3A_41 = tpu.memref_slice %arg3[%dma_start3A_39, %dma_start3A_40] : memref<100000x128xf32, #tpu.memory_space<hbm>> -> memref<100000x128xf32, #tpu.memory_space<hbm>>
    tpu.enqueue_indirect_dma source(%dma_start3A_41 : memref<100000x128xf32, #tpu.memory_space<hbm>>) target(%dma_start3A_35 : memref<128x128xf32, #tpu.memory_space<vmem>>) offsets(%dma_start3A_38 : memref<128xi32, #tpu.memory_space<vmem>>) semaphore(%arg9 : memref<!tpu.dma_semaphore, #tpu.memory_space<semaphore_mem>>)
    %dma_wait3A = arith.constant 0 : i32
    %dma_wait3A_42 = arith.constant 0 : i32
    %dma_wait3A_43 = arith.constant 0 : i32
    %dma_wait3A_44 = tpu.memref_slice %arg6[%dma_wait3A_42, %dma_wait3A_43] : memref<256x128xf32, #tpu.memory_space<vmem>> -> memref<128x128xf32, #tpu.memory_space<vmem>>
    %dma_wait3A_45 = arith.constant 0 : i32
    %dma_wait3A_46 = tpu.memref_slice %arg5[%dma_wait3A, %dma_wait3A_45] : memref<4x128xi32, #tpu.memory_space<vmem>> -> memref<1x128xi32, #tpu.memory_space<vmem>>
    %dma_wait3A_47 = tpu.memref_squeeze %dma_wait3A_46 : memref<1x128xi32, #tpu.memory_space<vmem>> -> memref<128xi32, #tpu.memory_space<vmem>>
    %dma_wait3A_48 = arith.constant 0 : i32
    %dma_wait3A_49 = arith.constant 0 : i32
    %dma_wait3A_50 = tpu.memref_slice %arg3[%dma_wait3A_48, %dma_wait3A_49] : memref<100000x128xf32, #tpu.memory_space<hbm>> -> memref<100000x128xf32, #tpu.memory_space<hbm>>
    tpu.wait_indirect_dma semaphore(%arg8 : memref<!tpu.dma_semaphore, #tpu.memory_space<semaphore_mem>>) src(%dma_wait3A_50 : memref<100000x128xf32, #tpu.memory_space<hbm>>) dst(%dma_wait3A_44 : memref<128x128xf32, #tpu.memory_space<vmem>>)
    %dma_wait3A_51 = arith.constant 1 : i32
    %dma_wait3A_52 = arith.constant 128 : i32
    %dma_wait3A_53 = arith.constant 0 : i32
    %dma_wait3A_54 = tpu.memref_slice %arg6[%dma_wait3A_52, %dma_wait3A_53] : memref<256x128xf32, #tpu.memory_space<vmem>> -> memref<128x128xf32, #tpu.memory_space<vmem>>
    %dma_wait3A_55 = arith.constant 0 : i32
    %dma_wait3A_56 = tpu.memref_slice %arg5[%dma_wait3A_51, %dma_wait3A_55] : memref<4x128xi32, #tpu.memory_space<vmem>> -> memref<1x128xi32, #tpu.memory_space<vmem>>
    %dma_wait3A_57 = tpu.memref_squeeze %dma_wait3A_56 : memref<1x128xi32, #tpu.memory_space<vmem>> -> memref<128xi32, #tpu.memory_space<vmem>>
    %dma_wait3A_58 = arith.constant 0 : i32
    %dma_wait3A_59 = arith.constant 0 : i32
    %dma_wait3A_60 = tpu.memref_slice %arg3[%dma_wait3A_58, %dma_wait3A_59] : memref<100000x128xf32, #tpu.memory_space<hbm>> -> memref<100000x128xf32, #tpu.memory_space<hbm>>
    tpu.wait_indirect_dma semaphore(%arg8 : memref<!tpu.dma_semaphore, #tpu.memory_space<semaphore_mem>>) src(%dma_wait3A_60 : memref<100000x128xf32, #tpu.memory_space<hbm>>) dst(%dma_wait3A_54 : memref<128x128xf32, #tpu.memory_space<vmem>>)
    %add3A_61 = arith.constant 0 : i32
    %add3A_62 = arith.addi %mul3A_2, %add3A_61 : i32
    "tpu.region"() ({
      %run_scoped3A = tpu.sem_alloc : memref<!tpu.dma_semaphore, #tpu.memory_space<semaphore_mem>>
      %dma_start3A_85 = arith.constant 0 : i32
      %dma_start3A_86 = tpu.memref_slice %arg4[%add3A_62, %dma_start3A_85] : memref<16384x128xf32, #tpu.memory_space<hbm>> -> memref<256x128xf32, #tpu.memory_space<hbm>>
      %dma_start3A_87 = arith.constant 0 : i32
      %dma_start3A_88 = tpu.memref_slice %arg4[%add3A_62, %dma_start3A_87] : memref<16384x128xf32, #tpu.memory_space<hbm>> -> memref<256x128xf32, #tpu.memory_space<hbm>>
      tpu.enqueue_dma source(%arg6 : memref<256x128xf32, #tpu.memory_space<vmem>>) target(%dma_start3A_88 : memref<256x128xf32, #tpu.memory_space<hbm>>) target_semaphore(%run_scoped3A : memref<!tpu.dma_semaphore, #tpu.memory_space<semaphore_mem>>)
      %dma_wait3A_89 = arith.constant 0 : i32
      %dma_wait3A_90 = tpu.memref_slice %arg4[%add3A_62, %dma_wait3A_89] : memref<16384x128xf32, #tpu.memory_space<hbm>> -> memref<256x128xf32, #tpu.memory_space<hbm>>
      %dma_wait3A_91 = arith.constant 0 : i32
      %dma_wait3A_92 = tpu.memref_slice %arg4[%add3A_62, %dma_wait3A_91] : memref<16384x128xf32, #tpu.memory_space<hbm>> -> memref<256x128xf32, #tpu.memory_space<hbm>>
      tpu.wait_dma2 semaphore(%run_scoped3A : memref<!tpu.dma_semaphore, #tpu.memory_space<semaphore_mem>>) src(%arg6 : memref<256x128xf32, #tpu.memory_space<vmem>>) dst(%dma_wait3A_92 : memref<256x128xf32, #tpu.memory_space<hbm>>)
      tpu.yield
    }) : () -> ()
    %dma_wait3A_63 = arith.constant 2 : i32
    %dma_wait3A_64 = arith.constant 0 : i32
    %dma_wait3A_65 = arith.constant 0 : i32
    %dma_wait3A_66 = tpu.memref_slice %arg7[%dma_wait3A_64, %dma_wait3A_65] : memref<256x128xf32, #tpu.memory_space<vmem>> -> memref<128x128xf32, #tpu.memory_space<vmem>>
    %dma_wait3A_67 = arith.constant 0 : i32
    %dma_wait3A_68 = tpu.memref_slice %arg5[%dma_wait3A_63, %dma_wait3A_67] : memref<4x128xi32, #tpu.memory_space<vmem>> -> memref<1x128xi32, #tpu.memory_space<vmem>>
    %dma_wait3A_69 = tpu.memref_squeeze %dma_wait3A_68 : memref<1x128xi32, #tpu.memory_space<vmem>> -> memref<128xi32, #tpu.memory_space<vmem>>
    %dma_wait3A_70 = arith.constant 0 : i32
    %dma_wait3A_71 = arith.constant 0 : i32
    %dma_wait3A_72 = tpu.memref_slice %arg3[%dma_wait3A_70, %dma_wait3A_71] : memref<100000x128xf32, #tpu.memory_space<hbm>> -> memref<100000x128xf32, #tpu.memory_space<hbm>>
    tpu.wait_indirect_dma semaphore(%arg9 : memref<!tpu.dma_semaphore, #tpu.memory_space<semaphore_mem>>) src(%dma_wait3A_72 : memref<100000x128xf32, #tpu.memory_space<hbm>>) dst(%dma_wait3A_66 : memref<128x128xf32, #tpu.memory_space<vmem>>)
    %dma_wait3A_73 = arith.constant 3 : i32
    %dma_wait3A_74 = arith.constant 128 : i32
    %dma_wait3A_75 = arith.constant 0 : i32
    %dma_wait3A_76 = tpu.memref_slice %arg7[%dma_wait3A_74, %dma_wait3A_75] : memref<256x128xf32, #tpu.memory_space<vmem>> -> memref<128x128xf32, #tpu.memory_space<vmem>>
    %dma_wait3A_77 = arith.constant 0 : i32
    %dma_wait3A_78 = tpu.memref_slice %arg5[%dma_wait3A_73, %dma_wait3A_77] : memref<4x128xi32, #tpu.memory_space<vmem>> -> memref<1x128xi32, #tpu.memory_space<vmem>>
    %dma_wait3A_79 = tpu.memref_squeeze %dma_wait3A_78 : memref<1x128xi32, #tpu.memory_space<vmem>> -> memref<128xi32, #tpu.memory_space<vmem>>
    %dma_wait3A_80 = arith.constant 0 : i32
    %dma_wait3A_81 = arith.constant 0 : i32
    %dma_wait3A_82 = tpu.memref_slice %arg3[%dma_wait3A_80, %dma_wait3A_81] : memref<100000x128xf32, #tpu.memory_space<hbm>> -> memref<100000x128xf32, #tpu.memory_space<hbm>>
    tpu.wait_indirect_dma semaphore(%arg9 : memref<!tpu.dma_semaphore, #tpu.memory_space<semaphore_mem>>) src(%dma_wait3A_82 : memref<100000x128xf32, #tpu.memory_space<hbm>>) dst(%dma_wait3A_76 : memref<128x128xf32, #tpu.memory_space<vmem>>)
    %add3A_83 = arith.constant 256 : i32
    %add3A_84 = arith.addi %mul3A_2, %add3A_83 : i32
    "tpu.region"() ({
      %run_scoped3A = tpu.sem_alloc : memref<!tpu.dma_semaphore, #tpu.memory_space<semaphore_mem>>
      %dma_start3A_85 = arith.constant 0 : i32
      %dma_start3A_86 = tpu.memref_slice %arg4[%add3A_84, %dma_start3A_85] : memref<16384x128xf32, #tpu.memory_space<hbm>> -> memref<256x128xf32, #tpu.memory_space<hbm>>
      %dma_start3A_87 = arith.constant 0 : i32
      %dma_start3A_88 = tpu.memref_slice %arg4[%add3A_84, %dma_start3A_87] : memref<16384x128xf32, #tpu.memory_space<hbm>> -> memref<256x128xf32, #tpu.memory_space<hbm>>
      tpu.enqueue_dma source(%arg7 : memref<256x128xf32, #tpu.memory_space<vmem>>) target(%dma_start3A_88 : memref<256x128xf32, #tpu.memory_space<hbm>>) target_semaphore(%run_scoped3A : memref<!tpu.dma_semaphore, #tpu.memory_space<semaphore_mem>>)
      %dma_wait3A_89 = arith.constant 0 : i32
      %dma_wait3A_90 = tpu.memref_slice %arg4[%add3A_84, %dma_wait3A_89] : memref<16384x128xf32, #tpu.memory_space<hbm>> -> memref<256x128xf32, #tpu.memory_space<hbm>>
      %dma_wait3A_91 = arith.constant 0 : i32
      %dma_wait3A_92 = tpu.memref_slice %arg4[%add3A_84, %dma_wait3A_91] : memref<16384x128xf32, #tpu.memory_space<hbm>> -> memref<256x128xf32, #tpu.memory_space<hbm>>
      tpu.wait_dma2 semaphore(%run_scoped3A : memref<!tpu.dma_semaphore, #tpu.memory_space<semaphore_mem>>) src(%arg7 : memref<256x128xf32, #tpu.memory_space<vmem>>) dst(%dma_wait3A_92 : memref<256x128xf32, #tpu.memory_space<hbm>>)
      tpu.yield
    }) : () -> ()
    return
  }
}

module attributes {stable_mosaic.version = 14 : i64} {
  func.func @_prep_body(%arg0: i32, %arg1: memref<64x24576xf32, #tpu.memory_space<vmem>>, %arg2: memref<64x24576xf32, #tpu.memory_space<vmem>>, %arg3: memref<24576x128xf32, #tpu.memory_space<vmem>>) attributes {dimension_semantics = [#tpu.dimension_semantics<arbitrary>], iteration_bounds = array<i64: 5>, scalar_prefetch = 0 : i64, scratch_operands = 0 : i64, tpu.core_type = #tpu.core_type<tc>, window_params = [{transform_indices = @transform_0, window_bounds = array<i64: 64, 24576>}, {transform_indices = @transform_1, window_bounds = array<i64: 64, 24576>}, {transform_indices = @transform_2, window_bounds = array<i64: 24576, 128>}]} {
    %get3A = arith.constant 0 : index
    %get3A_0 = arith.constant 0 : index
    %get3A_1 = vector.load %arg1[%get3A, %get3A_0] : memref<64x24576xf32, #tpu.memory_space<vmem>>, vector<64x24576xf32>
    %get3A_2 = arith.constant 0 : index
    %get3A_3 = arith.constant 0 : index
    %get3A_4 = vector.load %arg2[%get3A_2, %get3A_3] : memref<64x24576xf32, #tpu.memory_space<vmem>>, vector<64x24576xf32>
    %concatenate3A = tpu.concatenate %get3A_1, %get3A_4 in 0 : vector<64x24576xf32>, vector<64x24576xf32> -> vector<128x24576xf32>
    %iota3A = tpu.iota {dimensions = array<i32: 0>} : vector<128x128xi32>
    %iota3A_5 = tpu.iota {dimensions = array<i32: 1>} : vector<128x128xi32>
    %eq3A = arith.cmpi eq, %iota3A, %iota3A_5 : vector<128x128xi32>
    %jit3A = arith.constant 1.000000e+00 : f32
    %jit3A_6 = arith.constant 0.000000e+00 : f32
    %broadcast_in_dim3A = vector.broadcast %jit3A : f32 to vector<128x128xf32>
    %broadcast_in_dim3A_7 = vector.broadcast %jit3A_6 : f32 to vector<128x128xf32>
    %select_n3A = arith.select %eq3A, %broadcast_in_dim3A, %broadcast_in_dim3A_7 : vector<128x128xi1>, vector<128x128xf32>
    %dot_general3A = arith.constant dense<0.000000e+00> : vector<24576x128xf32>
    %dot_general3A_8 = tpu.matmul %concatenate3A, %select_n3A, %dot_general3A {dimension_numbers = #tpu.dot_dimension_numbers<[0], [0], [1], [1], [0, 1, 1, 1], [], []>, transpose_lhs_hint = false} : vector<128x24576xf32>, vector<128x128xf32>, vector<24576x128xf32> -> vector<24576x128xf32>
    %swap3A = arith.constant 0 : index
    %swap3A_9 = arith.constant 0 : index
    %swap3A_10 = vector.load %arg3[%swap3A, %swap3A_9] : memref<24576x128xf32, #tpu.memory_space<vmem>>, vector<24576x128xf32>
    tpu.vector_store %arg3[%swap3A, %swap3A_9], %dot_general3A_8 {strides = array<i32>} : memref<24576x128xf32, #tpu.memory_space<vmem>>, vector<24576x128xf32>,
    return
  }
  func.func @transform_0(%arg0: i32) -> (i32, i32) {
    %c0_i32 = arith.constant 0 : i32
    %c0_i32_0 = arith.constant 0 : i32
    return %c0_i32, %arg0 : i32, i32
  }
  func.func @transform_1(%arg0: i32) -> (i32, i32) {
    %c0_i32 = arith.constant 0 : i32
    %c0_i32_0 = arith.constant 0 : i32
    return %c0_i32, %arg0 : i32, i32
  }
  func.func @transform_2(%arg0: i32) -> (i32, i32) {
    %c0_i32 = arith.constant 0 : i32
    %c0_i32_0 = arith.constant 0 : i32
    return %arg0, %c0_i32 : i32, i32
  }
}

module attributes {stable_mosaic.version = 14 : i64} {
  func.func @_tc_body(%arg0: i32, %arg1: memref<4096x128xf32, #tpu.memory_space<vmem>>, %arg2: memref<4096x128xf32, #tpu.memory_space<vmem>>, %arg3: memref<64x128xf32, #tpu.memory_space<vmem>>, %arg4: memref<64x128xf32, #tpu.memory_space<vmem>>, %arg5: memref<1x128xf32, #tpu.memory_space<vmem>>, %arg6: memref<128x64xf32, #tpu.memory_space<vmem>>, %arg7: memref<1x64xf32, #tpu.memory_space<vmem>>, %arg8: memref<64x32xf32, #tpu.memory_space<vmem>>, %arg9: memref<1x32xf32, #tpu.memory_space<vmem>>, %arg10: memref<64x1xf32, #tpu.memory_space<vmem>>, %arg11: memref<32x1xf32, #tpu.memory_space<vmem>>, %arg12: memref<1x1xf32, #tpu.memory_space<vmem>>, %arg13: memref<4096x1xf32, #tpu.memory_space<vmem>>) attributes {dimension_semantics = [#tpu.dimension_semantics<parallel>], iteration_bounds = array<i64: 4>, scalar_prefetch = 0 : i64, scratch_operands = 0 : i64, tpu.core_type = #tpu.core_type<tc>, window_params = [{transform_indices = @transform_0, window_bounds = array<i64: 4096, 128>}, {transform_indices = @transform_1, window_bounds = array<i64: 4096, 128>}, {pipeline_mode = #tpu.pipeline_mode<synchronous>, transform_indices = @transform_2, window_bounds = array<i64: 64, 128>}, {pipeline_mode = #tpu.pipeline_mode<synchronous>, transform_indices = @transform_3, window_bounds = array<i64: 64, 128>}, {pipeline_mode = #tpu.pipeline_mode<synchronous>, transform_indices = @transform_4, window_bounds = array<i64: 1, 128>}, {pipeline_mode = #tpu.pipeline_mode<synchronous>, transform_indices = @transform_5, window_bounds = array<i64: 128, 64>}, {pipeline_mode = #tpu.pipeline_mode<synchronous>, transform_indices = @transform_6, window_bounds = array<i64: 1, 64>}, {pipeline_mode = #tpu.pipeline_mode<synchronous>, transform_indices = @transform_7, window_bounds = array<i64: 64, 32>}, {pipeline_mode = #tpu.pipeline_mode<synchronous>, transform_indices = @transform_8, window_bounds = array<i64: 1, 32>}, {pipeline_mode = #tpu.pipeline_mode<synchronous>, transform_indices = @transform_9, window_bounds = array<i64: 64, 1>}, {pipeline_mode = #tpu.pipeline_mode<synchronous>, transform_indices = @transform_10, window_bounds = array<i64: 32, 1>}, {pipeline_mode = #tpu.pipeline_mode<synchronous>, transform_indices = @transform_11, window_bounds = array<i64: 1, 1>}, {transform_indices = @transform_12, window_bounds = array<i64: 4096, 1>}]} {
    %get3A = arith.constant 0 : index
    %get3A_0 = arith.constant 0 : index
    %get3A_1 = vector.load %arg1[%get3A, %get3A_0] : memref<4096x128xf32, #tpu.memory_space<vmem>>, vector<4096x128xf32>
    %get3A_2 = arith.constant 0 : index
    %get3A_3 = arith.constant 0 : index
    %get3A_4 = vector.load %arg2[%get3A_2, %get3A_3] : memref<4096x128xf32, #tpu.memory_space<vmem>>, vector<4096x128xf32>
    %slice3A = vector.extract_strided_slice %get3A_1 {offsets = [0, 64], sizes = [4096, 64], strides = [1, 1]} : vector<4096x128xf32> to vector<4096x64xf32>
    %get3A_5 = arith.constant 0 : index
    %get3A_6 = arith.constant 0 : index
    %get3A_7 = vector.load %arg3[%get3A_5, %get3A_6] : memref<64x128xf32, #tpu.memory_space<vmem>>, vector<64x128xf32>
    %dot_general3A = arith.constant dense<0.000000e+00> : vector<4096x128xf32>
    %dot_general3A_8 = tpu.matmul %slice3A, %get3A_7, %dot_general3A {dimension_numbers = #tpu.dot_dimension_numbers<[1], [0], [0], [1], [0, 0, 1, 1], [], []>, transpose_lhs_hint = false} : vector<4096x64xf32>, vector<64x128xf32>, vector<4096x128xf32> -> vector<4096x128xf32>
    %slice3A_9 = vector.extract_strided_slice %get3A_4 {offsets = [0, 64], sizes = [4096, 64], strides = [1, 1]} : vector<4096x128xf32> to vector<4096x64xf32>
    %get3A_10 = arith.constant 0 : index
    %get3A_11 = arith.constant 0 : index
    %get3A_12 = vector.load %arg4[%get3A_10, %get3A_11] : memref<64x128xf32, #tpu.memory_space<vmem>>, vector<64x128xf32>
    %dot_general3A_13 = arith.constant dense<0.000000e+00> : vector<4096x128xf32>
    %dot_general3A_14 = tpu.matmul %slice3A_9, %get3A_12, %dot_general3A_13 {dimension_numbers = #tpu.dot_dimension_numbers<[1], [0], [0], [1], [0, 0, 1, 1], [], []>, transpose_lhs_hint = false} : vector<4096x64xf32>, vector<64x128xf32>, vector<4096x128xf32> -> vector<4096x128xf32>
    %add3A = arith.addf %dot_general3A_8, %dot_general3A_14 : vector<4096x128xf32>
    %get3A_15 = arith.constant 0 : index
    %get3A_16 = arith.constant 0 : index
    %get3A_17 = vector.load %arg5[%get3A_15, %get3A_16] : memref<1x128xf32, #tpu.memory_space<vmem>>, vector<1x128xf32>
    %add3A_18 = vector.broadcast %get3A_17 : vector<1x128xf32> to vector<4096x128xf32>
    %add3A_19 = arith.addf %add3A, %add3A_18 : vector<4096x128xf32>
    %max3A = arith.constant 0.000000e+00 : f32
    %max3A_20 = vector.broadcast %max3A : f32 to vector<4096x128xf32>
    %max3A_21 = arith.maximumf %add3A_19, %max3A_20 : vector<4096x128xf32>
    %get3A_22 = arith.constant 0 : index
    %get3A_23 = arith.constant 0 : index
    %get3A_24 = vector.load %arg6[%get3A_22, %get3A_23] : memref<128x64xf32, #tpu.memory_space<vmem>>, vector<128x64xf32>
    %dot_general3A_25 = arith.constant dense<0.000000e+00> : vector<4096x64xf32>
    %dot_general3A_26 = tpu.matmul %max3A_21, %get3A_24, %dot_general3A_25 {dimension_numbers = #tpu.dot_dimension_numbers<[1], [0], [0], [1], [0, 0, 1, 1], [], []>, transpose_lhs_hint = false} : vector<4096x128xf32>, vector<128x64xf32>, vector<4096x64xf32> -> vector<4096x64xf32>
    %get3A_27 = arith.constant 0 : index
    %get3A_28 = arith.constant 0 : index
    %get3A_29 = vector.load %arg7[%get3A_27, %get3A_28] : memref<1x64xf32, #tpu.memory_space<vmem>>, vector<1x64xf32>
    %add3A_30 = vector.broadcast %get3A_29 : vector<1x64xf32> to vector<4096x64xf32>
    %add3A_31 = arith.addf %dot_general3A_26, %add3A_30 : vector<4096x64xf32>
    %max3A_32 = arith.constant 0.000000e+00 : f32
    %max3A_33 = vector.broadcast %max3A_32 : f32 to vector<4096x64xf32>
    %max3A_34 = arith.maximumf %add3A_31, %max3A_33 : vector<4096x64xf32>
    %get3A_35 = arith.constant 0 : index
    %get3A_36 = arith.constant 0 : index
    %get3A_37 = vector.load %arg8[%get3A_35, %get3A_36] : memref<64x32xf32, #tpu.memory_space<vmem>>, vector<64x32xf32>
    %dot_general3A_38 = arith.constant dense<0.000000e+00> : vector<4096x32xf32>
    %dot_general3A_39 = tpu.matmul %max3A_34, %get3A_37, %dot_general3A_38 {dimension_numbers = #tpu.dot_dimension_numbers<[1], [0], [0], [1], [0, 0, 1, 1], [], []>, transpose_lhs_hint = false} : vector<4096x64xf32>, vector<64x32xf32>, vector<4096x32xf32> -> vector<4096x32xf32>
    %get3A_40 = arith.constant 0 : index
    %get3A_41 = arith.constant 0 : index
    %get3A_42 = vector.load %arg9[%get3A_40, %get3A_41] : memref<1x32xf32, #tpu.memory_space<vmem>>, vector<1x32xf32>
    %add3A_43 = vector.broadcast %get3A_42 : vector<1x32xf32> to vector<4096x32xf32>
    %add3A_44 = arith.addf %dot_general3A_39, %add3A_43 : vector<4096x32xf32>
    %max3A_45 = arith.constant 0.000000e+00 : f32
    %max3A_46 = vector.broadcast %max3A_45 : f32 to vector<4096x32xf32>
    %max3A_47 = arith.maximumf %add3A_44, %max3A_46 : vector<4096x32xf32>
    %slice3A_48 = vector.extract_strided_slice %get3A_1 {offsets = [0, 0], sizes = [4096, 64], strides = [1, 1]} : vector<4096x128xf32> to vector<4096x64xf32>
    %slice3A_49 = vector.extract_strided_slice %get3A_4 {offsets = [0, 0], sizes = [4096, 64], strides = [1, 1]} : vector<4096x128xf32> to vector<4096x64xf32>
    %mul3A = arith.mulf %slice3A_48, %slice3A_49 : vector<4096x64xf32>
    %get3A_50 = arith.constant 0 : index
    %get3A_51 = arith.constant 0 : index
    %get3A_52 = vector.load %arg10[%get3A_50, %get3A_51] : memref<64x1xf32, #tpu.memory_space<vmem>>, vector<64x1xf32>
    %dot_general3A_53 = arith.constant dense<0.000000e+00> : vector<4096x1xf32>
    %dot_general3A_54 = tpu.matmul %mul3A, %get3A_52, %dot_general3A_53 {dimension_numbers = #tpu.dot_dimension_numbers<[1], [0], [0], [1], [0, 0, 1, 1], [], []>, transpose_lhs_hint = false} : vector<4096x64xf32>, vector<64x1xf32>, vector<4096x1xf32> -> vector<4096x1xf32>
    %get3A_55 = arith.constant 0 : index
    %get3A_56 = arith.constant 0 : index
    %get3A_57 = vector.load %arg11[%get3A_55, %get3A_56] : memref<32x1xf32, #tpu.memory_space<vmem>>, vector<32x1xf32>
    %dot_general3A_58 = arith.constant dense<0.000000e+00> : vector<4096x1xf32>
    %dot_general3A_59 = tpu.matmul %max3A_47, %get3A_57, %dot_general3A_58 {dimension_numbers = #tpu.dot_dimension_numbers<[1], [0], [0], [1], [0, 0, 1, 1], [], []>, transpose_lhs_hint = false} : vector<4096x32xf32>, vector<32x1xf32>, vector<4096x1xf32> -> vector<4096x1xf32>
    %add3A_60 = arith.addf %dot_general3A_54, %dot_general3A_59 : vector<4096x1xf32>
    %get3A_61 = arith.constant 0 : index
    %get3A_62 = arith.constant 0 : index
    %get3A_63 = vector.load %arg12[%get3A_61, %get3A_62] : memref<1x1xf32, #tpu.memory_space<vmem>>, vector<1x1xf32>
    %add3A_64 = vector.broadcast %get3A_63 : vector<1x1xf32> to vector<4096x1xf32>
    %add3A_65 = arith.addf %add3A_60, %add3A_64 : vector<4096x1xf32>
    %swap3A = arith.constant 0 : index
    %swap3A_66 = arith.constant 0 : index
    %swap3A_67 = vector.load %arg13[%swap3A, %swap3A_66] : memref<4096x1xf32, #tpu.memory_space<vmem>>, vector<4096x1xf32>
    tpu.vector_store %arg13[%swap3A, %swap3A_66], %add3A_65 {strides = array<i32>} : memref<4096x1xf32, #tpu.memory_space<vmem>>, vector<4096x1xf32>,
    return
  }
  func.func @transform_0(%arg0: i32) -> (i32, i32) {
    %c0_i32 = arith.constant 0 : i32
    %c0_i32_0 = arith.constant 0 : i32
    return %arg0, %c0_i32 : i32, i32
  }
  func.func @transform_1(%arg0: i32) -> (i32, i32) {
    %c0_i32 = arith.constant 0 : i32
    %c0_i32_0 = arith.constant 0 : i32
    return %arg0, %c0_i32 : i32, i32
  }
  func.func @transform_2(%arg0: i32) -> (i32, i32) {
    %c0_i32 = arith.constant 0 : i32
    %c0_i32_0 = arith.constant 0 : i32
    %c0_i32_1 = arith.constant 0 : i32
    return %c0_i32, %c0_i32_0 : i32, i32
  }
  func.func @transform_3(%arg0: i32) -> (i32, i32) {
    %c0_i32 = arith.constant 0 : i32
    %c0_i32_0 = arith.constant 0 : i32
    %c0_i32_1 = arith.constant 0 : i32
    return %c0_i32, %c0_i32_0 : i32, i32
  }
  func.func @transform_4(%arg0: i32) -> (i32, i32) {
    %c0_i32 = arith.constant 0 : i32
    %c0_i32_0 = arith.constant 0 : i32
    %c0_i32_1 = arith.constant 0 : i32
    return %c0_i32, %c0_i32_0 : i32, i32
  }
  func.func @transform_5(%arg0: i32) -> (i32, i32) {
    %c0_i32 = arith.constant 0 : i32
    %c0_i32_0 = arith.constant 0 : i32
    %c0_i32_1 = arith.constant 0 : i32
    return %c0_i32, %c0_i32_0 : i32, i32
  }
  func.func @transform_6(%arg0: i32) -> (i32, i32) {
    %c0_i32 = arith.constant 0 : i32
    %c0_i32_0 = arith.constant 0 : i32
    %c0_i32_1 = arith.constant 0 : i32
    return %c0_i32, %c0_i32_0 : i32, i32
  }
  func.func @transform_7(%arg0: i32) -> (i32, i32) {
    %c0_i32 = arith.constant 0 : i32
    %c0_i32_0 = arith.constant 0 : i32
    %c0_i32_1 = arith.constant 0 : i32
    return %c0_i32, %c0_i32_0 : i32, i32
  }
  func.func @transform_8(%arg0: i32) -> (i32, i32) {
    %c0_i32 = arith.constant 0 : i32
    %c0_i32_0 = arith.constant 0 : i32
    %c0_i32_1 = arith.constant 0 : i32
    return %c0_i32, %c0_i32_0 : i32, i32
  }
  func.func @transform_9(%arg0: i32) -> (i32, i32) {
    %c0_i32 = arith.constant 0 : i32
    %c0_i32_0 = arith.constant 0 : i32
    %c0_i32_1 = arith.constant 0 : i32
    return %c0_i32, %c0_i32_0 : i32, i32
  }
  func.func @transform_10(%arg0: i32) -> (i32, i32) {
    %c0_i32 = arith.constant 0 : i32
    %c0_i32_0 = arith.constant 0 : i32
    %c0_i32_1 = arith.constant 0 : i32
    return %c0_i32, %c0_i32_0 : i32, i32
  }
  func.func @transform_11(%arg0: i32) -> (i32, i32) {
    %c0_i32 = arith.constant 0 : i32
    %c0_i32_0 = arith.constant 0 : i32
    %c0_i32_1 = arith.constant 0 : i32
    return %c0_i32, %c0_i32_0 : i32, i32
  }
  func.func @transform_12(%arg0: i32) -> (i32, i32) {
    %c0_i32 = arith.constant 0 : i32
    %c0_i32_0 = arith.constant 0 : i32
    return %arg0, %c0_i32 : i32, i32
  }
}

</mosaic_0001>

<sc_bundles>
// kernel: kernel.10.cloned.1.call-start
scs
__scs_entry_jumppad:
0x0: {  	(pc) =	sbr.rel $0x88, $3  }
0x1: {  	(tag) =	ssettag $0x0;
	lr =	simm.s32 $0x1  }
0x2: {  	[smem:$0x3F93] =	sst lr;
	_ =	strace $0xD0000000  }
0x3: {  	_ = 	snop  }
0x4: {  	_ = 	snop  }
0x5: {  	_ = 	snop  }
0x6: {  	_ = 	snop  }
0x7: {  	_ = 	snop  }
__scs_overlays_trampoline_lowered:
0x8: {  	[smem:$0x3FA2] =	sst s0  }
0x9: {  	[smem:$0x3FA3] =	sst s1  }
0xa: {  	[smem:$0x3FA4] =	sst s2  }
0xb: {  	[smem:$0x3FA5] =	sst s3  }
0xc: {  	[smem:$0x3FA6] =	sst s4  }
0xd: {  	[smem:$0x3FA7] =	sst s5  }
0xe: {  	[smem:$0x3FA8] =	sst s6  }
0xf: {  	[smem:$0x3FA9] =	sst s7  }
0x10: {  	[smem:$0x3FAA] =	sst s8  }
0x11: {  	[smem:$0x3FAB] =	sst s9;
	s0 =	simm.s32 @!p0 $0x0  }
0x12: {  	s1 =	sld [smem:$0x3F91];
	s0 =	simm.s32 @p0 $0x1  }
0x13: {  	[smem:$0x3FAC] =	sst s0;
	s0 =	simm.s32 @!p1 $0x0  }
0x14: {  	s2 =	sld [smem:$0x3F90];
	s0 =	simm.s32 @p1 $0x1  }
0x15: {  	[smem:$0x3FAD] =	sst s0;
	s0 =	simm.s32 @!p2 $0x0  }
0x16: {  	s3 =	sld [smem:$0x3FDB];
	s0 =	simm.s32 @p2 $0x1  }
0x17: {  	s4 =	simm.s32 $0x1BF5;
	[smem:$0x3FAF] =	sst s0  }
0x18: {  	s0 =	sld [smem:$0x3F92];
	_ =	swait.ge [sflag:s4], $0x0  }
0x19: {  	s7 =	sld [smem:$0x3F93]  }
0x1a: {  	s8 =	sadd.s32 $0xFFFFE003, lr  }
0x1b: {  	s9 =	sadd.s32 $0xFFFFFEF7, lr;
	s5 =	simm.s32 $0xFFFFFFFF;
	p2 =	slt.u32 s8, $0xFFFFF086  }
0x1c: {  	p1 =	slt.u32 s9, $0xF7A;
	s5 =	simm.s32 @!p2 $0x0  }
0x1d: {  	s5 =	simm.s32 @p1 $0x1;
	p0 =	seq.s32 s7, s2  }
0x1e: {  	s7 =	smul.u32 @!p0 $0xF7A, s2;
	p2 =	seq.s32 @!p0 s5, $0x0  }
0x1f: {  	s9 =	smul.u32 $0xF7A, s1;
	s8 =	simm.s32 @!p0 $0x1BF5;
	p2 =	por !p2, p0  }
0x20: {  	[sflag:s8] =	ssyncset.s32 @!p0 $0xFFFFF086;
	s6 =	sadd.s32 @!p0 s3, s7;
	s7 =	simm.s32 @!p0 $0x108  }
0x21: {  	s3 =	sadd.s32 s3, s9;
	s6 =	sadd.s32 @!p0 $0x88, s6;
	s7 =	simm.s32 @p2 $0x1082  }
0x22: {  	[simem:s7], [sflag:s8] =	dma.local @!p0 [hbm:s6], $0xF7A  }
0x23: {  	s9 =	sor.u32 $0xD0000000, s2;
	s6 =	simm.s32 $0x108;
	_ =	swait.ge @!p0 [sflag:s8], $0x0  }
0x24: {  	s3 =	sadd.s32 $0x88, s3;
	s6 =	simm.s32 @!p1 $0x1082;
	[sflag:s4] =	ssyncset.s32 $0xFFFFF086  }
0x25: {  	[simem:s6], [sflag:s4] =	dma.local [hbm:s3], $0xF7A  }
0x26: {  	[smem:$0x3F93] =	sst s1;
	(tag) =	ssettag s2;
	_ =	strace s9  }
0x27: {  	s1 =	sld [smem:$0x3FA3]  }
0x28: {  	s2 =	sld [smem:$0x3FA4]  }
0x29: {  	s4 =	sld [smem:$0x3FA6]  }
0x2a: {  	p0 =	seq.s32 s5, $0x0;
	s5 =	sld [smem:$0x3FA7]  }
0x2b: {  	s6 =	sld [smem:$0x3FA8]  }
0x2c: {  	s7 =	sld [smem:$0x3FA9]  }
0x2d: {  	s3 =	simm.s32 $0x108;
	s8 =	sld [smem:$0x3FAA]  }
0x2e: {  	s3 =	simm.s32 @!p0 $0x1082;
	s9 =	sld [smem:$0x3FAB]  }
0x2f: {  	lr =	sadd.s32 s0, s3;
	s0 =	sld [smem:$0x3FA2]  }
0x30: {  	s3 =	sld [smem:$0x3FA5]  }
0x31: {  	[smem:$0x3FAE] =	sst s10  }
0x32: {  	s10 =	sld [smem:$0x3FAC];
	_ =	sdelay $0x3  }
0x33: {  	p0 =	seq.s32 s10, $0x1;
	s10 =	sld [smem:$0x3FAE];
	_ =	sdelay $0x3  }
0x34: {  	[smem:$0x3FAE] =	sst s10  }
0x35: {  	s10 =	sld [smem:$0x3FAD];
	_ =	sdelay $0x3  }
0x36: {  	p1 =	seq.s32 s10, $0x1;
	s10 =	sld [smem:$0x3FAE];
	_ =	sdelay $0x3  }
0x37: {  	[smem:$0x3FAE] =	sst s10  }
0x38: {  	s10 =	sld [smem:$0x3FAF]  }
0x39: {  	_ = 	snop;
	(pc) =	sbr.ind lr, $3  }
0x3a: {  	_ = 	snop  }
0x3b: {  	_ = 	snop  }
0x3c: {  	p2 =	seq.s32 s10, $0x1;
	s10 =	sld [smem:$0x3FAE]  }
0x3d: {  	_ =	shalt  }
0x3e: {  	_ =	shalt  }
0x3f: {  	_ =	shalt  }
0x40: {  	_ =	shalt  }
0x41: {  	_ =	shalt  }
0x42: {  	_ =	shalt  }
0x43: {  	_ =	shalt  }
0x44: {  	_ =	shalt  }
0x45: {  	_ =	shalt  }
0x46: {  	_ =	shalt  }
0x47: {  	_ =	shalt  }
0x48: {  	_ =	shalt  }
0x49: {  	_ =	shalt  }
0x4a: {  	_ =	shalt  }
0x4b: {  	_ =	shalt  }
0x4c: {  	_ =	shalt  }
0x4d: {  	_ =	shalt  }
0x4e: {  	_ =	shalt  }
0x4f: {  	_ =	shalt  }
0x50: {  	_ =	shalt  }
0x51: {  	_ =	shalt  }
0x52: {  	_ =	shalt  }
0x53: {  	_ =	shalt  }
0x54: {  	_ =	shalt  }
0x55: {  	_ =	shalt  }
0x56: {  	_ =	shalt  }
0x57: {  	_ =	shalt  }
0x58: {  	_ =	shalt  }
0x59: {  	_ =	shalt  }
0x5a: {  	_ =	shalt  }
0x5b: {  	_ =	shalt  }
0x5c: {  	_ =	shalt  }
0x5d: {  	_ =	shalt  }
0x5e: {  	_ =	shalt  }
0x5f: {  	_ =	shalt  }
0x60: {  	_ =	shalt  }
0x61: {  	_ =	shalt  }
0x62: {  	_ =	shalt  }
0x63: {  	_ =	shalt  }
0x64: {  	_ =	shalt  }
0x65: {  	_ =	shalt  }
0x66: {  	_ =	shalt  }
0x67: {  	_ =	shalt  }
0x68: {  	_ =	shalt  }
0x69: {  	_ =	shalt  }
0x6a: {  	_ =	shalt  }
0x6b: {  	_ =	shalt  }
0x6c: {  	_ =	shalt  }
0x6d: {  	_ =	shalt  }
0x6e: {  	_ =	shalt  }
0x6f: {  	_ =	shalt  }
0x70: {  	_ =	shalt  }
0x71: {  	_ =	shalt  }
0x72: {  	_ =	shalt  }
0x73: {  	_ =	shalt  }
0x74: {  	_ =	shalt  }
0x75: {  	_ =	shalt  }
0x76: {  	_ =	shalt  }
0x77: {  	_ =	shalt  }
0x78: {  	_ =	shalt  }
0x79: {  	_ =	shalt  }
0x7a: {  	_ =	shalt  }
0x7b: {  	_ =	shalt  }
0x7c: {  	_ =	shalt  }
0x7d: {  	_ =	shalt  }
0x7e: {  	_ =	shalt  }
0x7f: {  	_ =	shalt  }
0x80: {  	_ =	shalt  }
0x81: {  	_ =	shalt  }
0x82: {  	_ =	shalt  }
0x83: {  	_ =	shalt  }
0x84: {  	_ =	shalt  }
0x85: {  	_ =	shalt  }
0x86: {  	_ =	shalt  }
0x87: {  	_ =	shalt  }
.Lfunc_end0:
.L_simem_size_0:
called_computation.1_lowered:
.L_overlay_start_0:
0x88: {  	s2 =	sld [smem:$0x3FD9]  }
0x89: {  	s3 =	sld [smem:$0x3FFE];
	_ =	sdelay $0x1  }
0x8a: {  	s1 =	srdreg.scid  }
0x8b: {  	s0 =	sand.u32 $0x1, s1  }
0x8c: {  	s17 =	sshll.u32 s0, $0xA;
	s2 =	sadd.s32 s3, s2  }
0x8d: {  	s2 =	sadd.s32 s2, s17  }
0x8e: {  	[smem:$0x3FBA] =	sst s2  }
0x8f: {  	_ = 	snop  }
0x90: {  	s18 =	sld [smem:$0x3FC8];
	(tm) =	ssettm $0x1  }
0x91: {  	s19 =	sld [smem:$0x3FFB];
	_ =	sdelay $0x3  }
0x92: {  	_ =	strace s19  }
0x93: {  	s2 =	sld [smem:$0x3FFC];
	_ =	sdelay $0x3  }
0x94: {  	_ =	strace s2  }
0x95: {  	s2 =	sld [smem:$0x3FFD];
	_ =	sdelay $0x3  }
0x96: {  	_ =	strace s2  }
0x97: {  	_ =	strace $0x8FFFFFFF  }
0x98: {  	s20 =	sld [smem:$0x3FDB];
	_ =	sdelay $0x1  }
0x99: {  	s4 =	simm.s32 $_scs_section_size  }
0x9a: {  	s5 =	simm.s32 $_size__tile_overlayer_lowered;
	s6 =	simm.s32 $_tile_overlayer_lowered  }
0x9b: {  	s7 =	simm.s32 $0x1BFF;
	s21 =	sshll.u32 s6, $0x1;
	s4 =	sadd.s32 s4, s20  }
0x9c: {  	s22 =	simm.s32 $0x0;
	s5 =	sshll.u32 s5, $0x1;
	s6 =	sadd.s32 s21, s4  }
0x9d: {  	[timem:s22], [sflag:s7] =	dma.local [hbm:s6], s5  }
0x9e: {  	_ =	swait.ge [sflag:s7], s5  }
0x9f: {  	s5 =	ssub.s32 $0x0, s5;
	[sflag:s7] =	ssyncset.done $0x0  }
0xa0: {  	[sflag:s7] =	ssyncadd.s32 s5;
	_ =	sdelay $0x1  }
0xa1: {  	s23 =	simm.s32 $0x1B8B  }
0xa2: {  	_ =	swait.ge [sflag:s23], $0x1  }
0xa3: {  	[sflag:s23] =	ssyncset.done $0x0  }
0xa4: {  	[sflag:s23] =	ssyncadd.s32 $0xFFFFFFFF  }
0xa5: {  	s5 =	sld [smem:$0x0]  }
0xa6: {  	s6 =	sand.u32 $0xFFFFFFFE, s1  }
0xa7: {  	p0 =	sne.s32 s1, s6  }
0xa8: {  	s6 =	sshll.u32 @p0 s6, $0xE  }
0xa9: {  	s6 =	sadd.s32 @p0 $0x11B8D, s6;
	s7 =	sshll.u32 @p0 s5, $0x11  }
0xaa: {  	s6 =	sor.u32 @p0 s7, s6  }
0xab: {  	[sflag:s6] =	ssyncadd.remote.s32 @p0 $0x1;
	_ =	sdelay $0x1  }
0xac: {  	s6 =	simm.s32 @p0 $0x1B8D  }
0xad: {  	_ =	swait.eq @p0 [sflag:s6], $0x1  }
0xae: {  	[sflag:s6] =	ssyncadd.s32 @p0 $0xFFFFFFFF  }
0xaf: {  	s7 =	sshll.u32 @!p0 s1, $0xE  }
0xb0: {  	s7 =	sor.u32 @!p0 $0x4000, s7;
	s6 =	simm.s32 @!p0 $0x1B8D  }
0xb1: {  	s5 =	sshll.u32 @!p0 s5, $0x11;
	s7 =	sadd.s32 @!p0 $0x11B8D, s7;
	_ =	swait.eq @!p0 [sflag:s6], $0x1  }
0xb2: {  	s5 =	sor.u32 @!p0 s5, s7;
	[sflag:s6] =	ssyncadd.s32 @!p0 $0xFFFFFFFF  }
0xb3: {  	s25 =	simm.s32 $0x1B8E;
	s24 =	sld [smem:$0x3FFE];
	[sflag:s5] =	ssyncadd.remote.s32 @!p0 $0x1  }
0xb4: {  	s26 =	simm.s32 $execute0_lowered;
	[smem:$0x3FD2] =	sst s25  }
0xb5: {  	s6 =	sshll.u32 s26, $0x1;
	_ =	strace $0x80000049;
	[dreg:$0x1] =	wrdreg $0xFFFFFFFF  }
0xb6: {  	s28 =	simm.s32 $_size_execute0_lowered;
	s4 =	sadd.s32 s4, s6;
	[dreg:$0x0] =	wrdreg $0x0  }
0xb7: {  	s6 =	sshll.u32 s28, $0x1;
	[dreg:$0x2] =	wrdreg s4  }
0xb8: {  	[dreg:$0x3] =	wrdreg s6  }
0xb9: {  	[dreg:$0x4] =	wrdreg $0xC0  }
0xba: {  	_ =	task [dreg:s22], $0x5FFFF  }
0xbb: {  	[dreg:$0x1] =	wrdreg $0xFFFFFFFF  }
0xbc: {  	[dreg:$0x0] =	wrdreg $0x60  }
0xbd: {  	[dreg:$0x2] =	wrdreg s18  }
0xbe: {  	[dreg:$0x3] =	wrdreg s24  }
0xbf: {  	[dreg:$0x4] =	wrdreg $0xA  }
0xc0: {  	_ =	task.clear_ibuf [dreg:s22], $0x5FFFF;
	_ =	strace $0x90000049  }
0xc1: {  	s29 =	simm.s32 $0xA;
	_ =	strace $0x8000004B  }
0xc2: {  	_ =	swait.ge [sflag:s29], $0x1  }
0xc3: {  	[sflag:s29] =	ssyncadd.s32 $0xFFFFFFFF  }
0xc4: {  	_ =	strace $0x9000004B  }
0xc5: {  	_ =	sfence  }
0xc6: {  	s30 =	sld [smem:$0x0];
	_ =	sdelay $0x2  }
0xc7: {  	s31 =	sshll.u32 s1, $0xD;
	s1 =	sshrl.u32 s1, $0x2  }
0xc8: {  	s4 =	sand.u32 $0x4000, s31;
	s1 =	sadd.s32 s1, s30  }
0xc9: {  	s0 =	sor.u32 s4, s0;
	s1 =	sshll.u32 s1, $0x11  }
0xca: {  	s0 =	sor.u32 s1, s0  }
0xcb: {  	s0 =	sadd.s32 $0x8F2B, s0  }
0xcc: {  	[sflag:s0] =	ssyncadd.remote.s32 $0x1  }
0xcd: {  	_ =	sfence.sel $0xFFFF  }
0xce: {  	[dreg:$0x0] =	wrdreg $0xFFFFFFFF;
	(pc) =	sbr.abs _section_cstart, $3  }
0xcf: {  	[dreg:$0x1] =	wrdreg $0xFFFFFFFF  }
0xd0: {  	_ =	task.clear_ibuf [dreg:s22], $0x2FFFF;
	_ =	strace $0x9FFFFFFF  }
0xd1: {  	(tm) =	ssettm $0x7FFFFFFF  }
tec
execute0_lowered:
.L_overlay_start_1:
0x0: {  	(tag) =	ssettag $0x1  }
0x1: {  	s1 =	srdreg.scid  }
0x2: {  	s3 =	rddreg [dreg:$0x0];
	s0 =	stileid.u32;
	s16 =	sand.u32 $0x1, s1  }
0x3: {  	s14 =	rddreg [dreg:$0x1];
	s4 =	sshll.u32 s0, $0xA;
	s5 =	sshll.u32 s16, $0x9  }
0x4: {  	s2 =	simm.s32 $0x0;
	s1 =	rddreg [dreg:$0x2];
	s15 =	sor.u32 s5, s4  }
0x5: {  	[smem:$0x7FF] =	sst s2;
	s4 =	sshrl.u32 s15, $0x3  }
0x6: {  	_ =	strace $0x8000004A;
	s4 =	sadd.s32 s3, s4;
	s3 =	simm.s32 $0x3  }
0x7: {  	[tilespmem:s2], [sflag:$0x3] =	stream.linear.gather [hbm4b:s4+s2], $0x200, $0x38;
	[tilespmem:$0x10200] =	vst v63  }
0x8: {  	_ =	swait.ge [sflag:s3], $0x200  }
0x9: {  	s6 =	simm.s32 $0x80;
	[sflag:s3] =	ssyncset.done $0x0  }
0xa: {  	s7 =	simm.s32 $0x200;
	s5 =	sadd.s32 $0x1C8000, s14;
	[sflag:s3] =	ssyncadd.s32 $0xFFFFFE00  }
0xb: {  	[tilespmem:s7], [sflag:$0x1] =	stream.indirect.gather [hbm4b:s5+s6], $0x80, s2, s6, $0xb8;
	[tilespmem:$0x10200] =	vst v63  }
0xc: {  	s8 =	simm.s32 $0x4200  }
0xd: {  	[tilespmem:s8], [sflag:$0x1] =	stream.indirect.gather [hbm4b:s5+s6], $0x80, s6, s6, $0xb8;
	[tilespmem:$0x10200] =	vst v63  }
0xe: {  	s9 =	simm.s32 $0x100;
	s10 =	simm.s32 $0x8200  }
0xf: {  	[tilespmem:s10], [sflag:$0x2] =	stream.indirect.gather [hbm4b:s5+s6], $0x80, s9, s6, $0xb8;
	[tilespmem:$0x10200] =	vst v63  }
0x10: {  	s11 =	simm.s32 $0x180;
	s12 =	simm.s32 $0xC200;
	s13 =	simm.s32 $0x1  }
0x11: {  	[tilespmem:s12], [sflag:$0x2] =	stream.indirect.gather [hbm4b:s5+s6], $0x80, s11, s6, $0xb8;
	[tilespmem:$0x10200] =	vst v63  }
0x12: {  	_ =	swait.ge [sflag:s13], $0x4000  }
0x13: {  	[sflag:s13] =	ssyncset.done $0x0  }
0x14: {  	[sflag:s13] =	ssyncadd.s32 $0xFFFFC000  }
0x15: {  	s15 =	sshll.u32 s15, $0x4;
	_ =	swait.ge [sflag:s13], $0x4000  }
0x16: {  	s17 =	sadd.s32 s15, s14;
	[sflag:s13] =	ssyncset.done $0x0  }
0x17: {  	s14 =	sadd.s32 $0x34EA00, s17;
	[sflag:s13] =	ssyncadd.s32 $0xFFFFC000  }
0x18: {  	[hbm4b:s14+s2] =	stream.linear.scatter [tilespmem:s7], [sflag:$0x3], $0x8000, $0x38;
	[tilespmem:$0x10200] =	vst v63  }
0x19: {  	_ =	swait.ge [sflag:s3], $0x8000  }
0x1a: {  	[sflag:s3] =	ssyncset.done $0x0  }
0x1b: {  	s16 =	ssub.s32 $0x2, s16;
	s15 =	simm.s32 $0x2;
	[sflag:s3] =	ssyncadd.s32 $0xFFFF8000  }
0x1c: {  	s18 =	sshrl.u32 s16, $0x1;
	_ =	swait.ge [sflag:s15], $0x4000  }
0x1d: {  	s18 =	ssub.s32 s16, s18;
	[sflag:s15] =	ssyncset.done $0x0  }
0x1e: {  	s31 =	smax.u32 s18, $0x1;
	[sflag:s15] =	ssyncadd.s32 $0xFFFFC000  }
0x1f: {  	p0 =	sne.s32 s31, $0x1;
	_ =	swait.ge [sflag:s15], $0x4000  }
.Ltmp0:
0x20: {  	[sflag:s15] =	ssyncset.done $0x0;
	(pc) =	sbr.rel @!p0 .LBB2_2-.Ltmp0, $4  }
0x21: {  	s16 =	sadd.s32 $0x34FA00, s17;
	[sflag:s15] =	ssyncadd.s32 $0xFFFFC000  }
0x22: {  	[hbm4b:s16+s2] =	stream.linear.scatter [tilespmem:s10], [sflag:$0x3], $0x8000, $0x38;
	[tilespmem:$0x10200] =	vst v63  }
0x23: {  	_ =	swait.ge [sflag:s3], $0x8000  }
0x24: {  	s17 =	sadd.s32 $0xFFFFFFFF, s31;
	[sflag:s3] =	ssyncset.done $0x0  }
.LBB2_1:
0x25: {  	p0 =	sne.s32 s17, $0x1;
	s17 =	sadd.s32 $0xFFFFFFFF, s17;
	[sflag:s3] =	ssyncadd.s32 $0xFFFF8000  }
0x26: {  	[tilespmem:s2], [sflag:$0x3] =	stream.linear.gather [hbm4b:s4+s2], $0x200, $0x38;
	[tilespmem:$0x10200] =	vst v63  }
0x27: {  	_ =	swait.ge [sflag:s3], $0x200  }
0x28: {  	[sflag:s3] =	ssyncset.done $0x0  }
0x29: {  	[sflag:s3] =	ssyncadd.s32 $0xFFFFFE00  }
0x2a: {  	[tilespmem:s7], [sflag:$0x1] =	stream.indirect.gather [hbm4b:s5+s6], $0x80, s2, s6, $0xb8;
	[tilespmem:$0x10200] =	vst v63  }
0x2b: {  	_ = 	snop  }
0x2c: {  	[tilespmem:s8], [sflag:$0x1] =	stream.indirect.gather [hbm4b:s5+s6], $0x80, s6, s6, $0xb8;
	[tilespmem:$0x10200] =	vst v63  }
0x2d: {  	_ = 	snop  }
0x2e: {  	[tilespmem:s10], [sflag:$0x2] =	stream.indirect.gather [hbm4b:s5+s6], $0x80, s9, s6, $0xb8;
	[tilespmem:$0x10200] =	vst v63  }
0x2f: {  	_ = 	snop  }
0x30: {  	[tilespmem:s12], [sflag:$0x2] =	stream.indirect.gather [hbm4b:s5+s6], $0x80, s11, s6, $0xb8;
	[tilespmem:$0x10200] =	vst v63  }
0x31: {  	_ =	swait.ge [sflag:s13], $0x4000  }
0x32: {  	[sflag:s13] =	ssyncset.done $0x0  }
0x33: {  	[sflag:s13] =	ssyncadd.s32 $0xFFFFC000  }
0x34: {  	_ =	swait.ge [sflag:s13], $0x4000  }
0x35: {  	[sflag:s13] =	ssyncset.done $0x0  }
0x36: {  	[sflag:s13] =	ssyncadd.s32 $0xFFFFC000  }
0x37: {  	[hbm4b:s14+s2] =	stream.linear.scatter [tilespmem:s7], [sflag:$0x3], $0x8000, $0x38;
	[tilespmem:$0x10200] =	vst v63  }
0x38: {  	_ =	swait.ge [sflag:s3], $0x8000  }
0x39: {  	[sflag:s3] =	ssyncset.done $0x0  }
0x3a: {  	[sflag:s3] =	ssyncadd.s32 $0xFFFF8000  }
0x3b: {  	_ =	swait.ge [sflag:s15], $0x4000  }
0x3c: {  	[sflag:s15] =	ssyncset.done $0x0  }
0x3d: {  	[sflag:s15] =	ssyncadd.s32 $0xFFFFC000  }
0x3e: {  	_ =	swait.ge [sflag:s15], $0x4000  }
.Ltmp1:
0x3f: {  	[sflag:s15] =	ssyncset.done $0x0;
	(pc) =	sbr.rel @p0 .LBB2_1-.Ltmp1, $4  }
0x40: {  	[sflag:s15] =	ssyncadd.s32 $0xFFFFC000  }
0x41: {  	[hbm4b:s16+s2] =	stream.linear.scatter [tilespmem:s10], [sflag:$0x3], $0x8000, $0x38;
	[tilespmem:$0x10200] =	vst v63  }
0x42: {  	_ =	swait.ge [sflag:s3], $0x8000  }
0x43: {  	[sflag:s3] =	ssyncset.done $0x0  }
.LBB2_2:
0x44: {  	[sflag:s3] =	ssyncadd.s32 $0xFFFF8000  }
0x45: {  	_ =	sfence.sel $0x180000  }
0x46: {  	[bflag:$0x0] =	sbarrier.arrive $0xFFFF  }
0x47: {  	p0 =	sne.s32 s0, $0x0;
	_ =	strace $0x9000004A  }
0x48: {  	s0 =	sadd.s32 @!p0 $0x100000, s1;
	[bflag:$0x2] =	sbarrier.arrive $0xFFFF  }
0x49: {  	[sflag:s0] =	ssyncadd.tile.s32 @!p0 $0x1;
	_ =	shalt  }
.Lfunc_end2:
_tile_overlayer_lowered:
.L_overlay_start_2:
0x4a: {  	(tag) =	ssettag $0x2  }
0x4b: {  	s0 =	rddreg [dreg:$0x0];
	s2 =	stileid.u32  }
0x4c: {  	s1 =	rddreg [dreg:$0x1];
	p0 =	sne.s32 s2, $0x0  }
0x4d: {  	s3 =	rddreg [dreg:$0x2];
	[bflag:$0x3] =	sbarrier.arrive $0xFFFF;
	s2 =	simm.s32 @!p0 $0x1C03  }
0x4e: {  	[timem:s3], [sflag:s2] =	dma.local @!p0 [hbm:s0], s1  }
0x4f: {  	s0 =	simm.s32 @!p0 $0x3  }
0x50: {  	_ =	swait.ge @!p0 [sflag:s0], s1  }
0x51: {  	s1 =	ssub.s32 @!p0 $0x0, s1;
	[sflag:s0] =	ssyncset.done @!p0 $0x0  }
0x52: {  	[sflag:s0] =	ssyncadd.s32 @!p0 s1  }
0x53: {  	[bflag:$0x3] =	sbarrier.arrive $0xFFFF  }
0x54: {  	_ =	shalt  }

// kernel: kernel.7.cloned.1.call-start
scs
__scs_entry_jumppad:
0x0: {  	(pc) =	sbr.rel $0x88, $3  }
0x1: {  	(tag) =	ssettag $0x0;
	lr =	simm.s32 $0x1  }
0x2: {  	[smem:$0x3F93] =	sst lr;
	_ =	strace $0xD0000000  }
0x3: {  	_ = 	snop  }
0x4: {  	_ = 	snop  }
0x5: {  	_ = 	snop  }
0x6: {  	_ = 	snop  }
0x7: {  	_ = 	snop  }
__scs_overlays_trampoline_lowered:
0x8: {  	[smem:$0x3FA2] =	sst s0  }
0x9: {  	[smem:$0x3FA3] =	sst s1  }
0xa: {  	[smem:$0x3FA4] =	sst s2  }
0xb: {  	[smem:$0x3FA5] =	sst s3  }
0xc: {  	[smem:$0x3FA6] =	sst s4  }
0xd: {  	[smem:$0x3FA7] =	sst s5  }
0xe: {  	[smem:$0x3FA8] =	sst s6  }
0xf: {  	[smem:$0x3FA9] =	sst s7  }
0x10: {  	[smem:$0x3FAA] =	sst s8  }
0x11: {  	[smem:$0x3FAB] =	sst s9;
	s0 =	simm.s32 @!p0 $0x0  }
0x12: {  	s1 =	sld [smem:$0x3F91];
	s0 =	simm.s32 @p0 $0x1  }
0x13: {  	[smem:$0x3FAC] =	sst s0;
	s0 =	simm.s32 @!p1 $0x0  }
0x14: {  	s2 =	sld [smem:$0x3F90];
	s0 =	simm.s32 @p1 $0x1  }
0x15: {  	[smem:$0x3FAD] =	sst s0;
	s0 =	simm.s32 @!p2 $0x0  }
0x16: {  	s3 =	sld [smem:$0x3FDB];
	s0 =	simm.s32 @p2 $0x1  }
0x17: {  	s4 =	simm.s32 $0x1BF5;
	[smem:$0x3FAF] =	sst s0  }
0x18: {  	s0 =	sld [smem:$0x3F92];
	_ =	swait.ge [sflag:s4], $0x0  }
0x19: {  	s7 =	sld [smem:$0x3F93]  }
0x1a: {  	s8 =	sadd.s32 $0xFFFFE003, lr  }
0x1b: {  	s9 =	sadd.s32 $0xFFFFFEF7, lr;
	s5 =	simm.s32 $0xFFFFFFFF;
	p2 =	slt.u32 s8, $0xFFFFF086  }
0x1c: {  	p1 =	slt.u32 s9, $0xF7A;
	s5 =	simm.s32 @!p2 $0x0  }
0x1d: {  	s5 =	simm.s32 @p1 $0x1;
	p0 =	seq.s32 s7, s2  }
0x1e: {  	s7 =	smul.u32 @!p0 $0xF7A, s2;
	p2 =	seq.s32 @!p0 s5, $0x0  }
0x1f: {  	s9 =	smul.u32 $0xF7A, s1;
	s8 =	simm.s32 @!p0 $0x1BF5;
	p2 =	por !p2, p0  }
0x20: {  	[sflag:s8] =	ssyncset.s32 @!p0 $0xFFFFF086;
	s6 =	sadd.s32 @!p0 s3, s7;
	s7 =	simm.s32 @!p0 $0x108  }
0x21: {  	s3 =	sadd.s32 s3, s9;
	s6 =	sadd.s32 @!p0 $0x88, s6;
	s7 =	simm.s32 @p2 $0x1082  }
0x22: {  	[simem:s7], [sflag:s8] =	dma.local @!p0 [hbm:s6], $0xF7A  }
0x23: {  	s9 =	sor.u32 $0xD0000000, s2;
	s6 =	simm.s32 $0x108;
	_ =	swait.ge @!p0 [sflag:s8], $0x0  }
0x24: {  	s3 =	sadd.s32 $0x88, s3;
	s6 =	simm.s32 @!p1 $0x1082;
	[sflag:s4] =	ssyncset.s32 $0xFFFFF086  }
0x25: {  	[simem:s6], [sflag:s4] =	dma.local [hbm:s3], $0xF7A  }
0x26: {  	[smem:$0x3F93] =	sst s1;
	(tag) =	ssettag s2;
	_ =	strace s9  }
0x27: {  	s1 =	sld [smem:$0x3FA3]  }
0x28: {  	s2 =	sld [smem:$0x3FA4]  }
0x29: {  	s4 =	sld [smem:$0x3FA6]  }
0x2a: {  	p0 =	seq.s32 s5, $0x0;
	s5 =	sld [smem:$0x3FA7]  }
0x2b: {  	s6 =	sld [smem:$0x3FA8]  }
0x2c: {  	s7 =	sld [smem:$0x3FA9]  }
0x2d: {  	s3 =	simm.s32 $0x108;
	s8 =	sld [smem:$0x3FAA]  }
0x2e: {  	s3 =	simm.s32 @!p0 $0x1082;
	s9 =	sld [smem:$0x3FAB]  }
0x2f: {  	lr =	sadd.s32 s0, s3;
	s0 =	sld [smem:$0x3FA2]  }
0x30: {  	s3 =	sld [smem:$0x3FA5]  }
0x31: {  	[smem:$0x3FAE] =	sst s10  }
0x32: {  	s10 =	sld [smem:$0x3FAC];
	_ =	sdelay $0x3  }
0x33: {  	p0 =	seq.s32 s10, $0x1;
	s10 =	sld [smem:$0x3FAE];
	_ =	sdelay $0x3  }
0x34: {  	[smem:$0x3FAE] =	sst s10  }
0x35: {  	s10 =	sld [smem:$0x3FAD];
	_ =	sdelay $0x3  }
0x36: {  	p1 =	seq.s32 s10, $0x1;
	s10 =	sld [smem:$0x3FAE];
	_ =	sdelay $0x3  }
0x37: {  	[smem:$0x3FAE] =	sst s10  }
0x38: {  	s10 =	sld [smem:$0x3FAF]  }
0x39: {  	_ = 	snop;
	(pc) =	sbr.ind lr, $3  }
0x3a: {  	_ = 	snop  }
0x3b: {  	_ = 	snop  }
0x3c: {  	p2 =	seq.s32 s10, $0x1;
	s10 =	sld [smem:$0x3FAE]  }
0x3d: {  	_ =	shalt  }
0x3e: {  	_ =	shalt  }
0x3f: {  	_ =	shalt  }
0x40: {  	_ =	shalt  }
0x41: {  	_ =	shalt  }
0x42: {  	_ =	shalt  }
0x43: {  	_ =	shalt  }
0x44: {  	_ =	shalt  }
0x45: {  	_ =	shalt  }
0x46: {  	_ =	shalt  }
0x47: {  	_ =	shalt  }
0x48: {  	_ =	shalt  }
0x49: {  	_ =	shalt  }
0x4a: {  	_ =	shalt  }
0x4b: {  	_ =	shalt  }
0x4c: {  	_ =	shalt  }
0x4d: {  	_ =	shalt  }
0x4e: {  	_ =	shalt  }
0x4f: {  	_ =	shalt  }
0x50: {  	_ =	shalt  }
0x51: {  	_ =	shalt  }
0x52: {  	_ =	shalt  }
0x53: {  	_ =	shalt  }
0x54: {  	_ =	shalt  }
0x55: {  	_ =	shalt  }
0x56: {  	_ =	shalt  }
0x57: {  	_ =	shalt  }
0x58: {  	_ =	shalt  }
0x59: {  	_ =	shalt  }
0x5a: {  	_ =	shalt  }
0x5b: {  	_ =	shalt  }
0x5c: {  	_ =	shalt  }
0x5d: {  	_ =	shalt  }
0x5e: {  	_ =	shalt  }
0x5f: {  	_ =	shalt  }
0x60: {  	_ =	shalt  }
0x61: {  	_ =	shalt  }
0x62: {  	_ =	shalt  }
0x63: {  	_ =	shalt  }
0x64: {  	_ =	shalt  }
0x65: {  	_ =	shalt  }
0x66: {  	_ =	shalt  }
0x67: {  	_ =	shalt  }
0x68: {  	_ =	shalt  }
0x69: {  	_ =	shalt  }
0x6a: {  	_ =	shalt  }
0x6b: {  	_ =	shalt  }
0x6c: {  	_ =	shalt  }
0x6d: {  	_ =	shalt  }
0x6e: {  	_ =	shalt  }
0x6f: {  	_ =	shalt  }
0x70: {  	_ =	shalt  }
0x71: {  	_ =	shalt  }
0x72: {  	_ =	shalt  }
0x73: {  	_ =	shalt  }
0x74: {  	_ =	shalt  }
0x75: {  	_ =	shalt  }
0x76: {  	_ =	shalt  }
0x77: {  	_ =	shalt  }
0x78: {  	_ =	shalt  }
0x79: {  	_ =	shalt  }
0x7a: {  	_ =	shalt  }
0x7b: {  	_ =	shalt  }
0x7c: {  	_ =	shalt  }
0x7d: {  	_ =	shalt  }
0x7e: {  	_ =	shalt  }
0x7f: {  	_ =	shalt  }
0x80: {  	_ =	shalt  }
0x81: {  	_ =	shalt  }
0x82: {  	_ =	shalt  }
0x83: {  	_ =	shalt  }
0x84: {  	_ =	shalt  }
0x85: {  	_ =	shalt  }
0x86: {  	_ =	shalt  }
0x87: {  	_ =	shalt  }
.Lfunc_end0:
.L_simem_size_0:
called_computation_lowered:
.L_overlay_start_0:
0x88: {  	s2 =	sld [smem:$0x3FD9]  }
0x89: {  	s3 =	sld [smem:$0x3FFE];
	_ =	sdelay $0x1  }
0x8a: {  	s1 =	srdreg.scid  }
0x8b: {  	s0 =	sand.u32 $0x1, s1  }
0x8c: {  	s17 =	sshll.u32 s0, $0xA;
	s2 =	sadd.s32 s3, s2  }
0x8d: {  	s2 =	sadd.s32 s2, s17  }
0x8e: {  	[smem:$0x3FBA] =	sst s2  }
0x8f: {  	_ = 	snop  }
0x90: {  	s2 =	sld [smem:$0x3FC9];
	(tm) =	ssettm $0x1  }
0x91: {  	s18 =	sld [smem:$0x3FFB];
	_ =	sdelay $0x3  }
0x92: {  	_ =	strace s18  }
0x93: {  	s3 =	sld [smem:$0x3FFC];
	_ =	sdelay $0x3  }
0x94: {  	_ =	strace s3  }
0x95: {  	s3 =	sld [smem:$0x3FFD];
	_ =	sdelay $0x3  }
0x96: {  	_ =	strace s3  }
0x97: {  	_ =	strace $0x8FFFFFFF  }
0x98: {  	s19 =	sld [smem:$0x3FDB];
	_ =	sdelay $0x1  }
0x99: {  	s4 =	simm.s32 $_scs_section_size  }
0x9a: {  	s5 =	simm.s32 $_size__tile_overlayer_lowered;
	s6 =	simm.s32 $_tile_overlayer_lowered  }
0x9b: {  	s22 =	simm.s32 $0x1BFF;
	s21 =	sshll.u32 s6, $0x1;
	s3 =	sadd.s32 s4, s19  }
0x9c: {  	s7 =	simm.s32 $0x0;
	s20 =	sshll.u32 s5, $0x1;
	s5 =	sadd.s32 s21, s3  }
0x9d: {  	[timem:s7], [sflag:s22] =	dma.local [hbm:s5], s20  }
0x9e: {  	_ =	swait.ge [sflag:s22], s20  }
0x9f: {  	s4 =	ssub.s32 $0x0, s20;
	[sflag:s22] =	ssyncset.done $0x0  }
0xa0: {  	[sflag:s22] =	ssyncadd.s32 s4;
	_ =	sdelay $0x1  }
0xa1: {  	s23 =	simm.s32 $0x1B8B  }
0xa2: {  	_ =	swait.ge [sflag:s23], $0x1  }
0xa3: {  	[sflag:s23] =	ssyncset.done $0x0  }
0xa4: {  	s25 =	simm.s32 $0x1B8E;
	s24 =	sld [smem:$0x3FFE];
	[sflag:s23] =	ssyncadd.s32 $0xFFFFFFFF  }
0xa5: {  	s26 =	simm.s32 $execute0_lowered;
	[smem:$0x3FD2] =	sst s25  }
0xa6: {  	s5 =	sshll.u32 s26, $0x1;
	_ =	strace $0x80000046;
	[dreg:$0x1] =	wrdreg $0xFFFFFFFF  }
0xa7: {  	s28 =	simm.s32 $_size_execute0_lowered;
	s3 =	sadd.s32 s3, s5;
	[dreg:$0x0] =	wrdreg $0x0  }
0xa8: {  	s5 =	sshll.u32 s28, $0x1;
	[dreg:$0x2] =	wrdreg s3  }
0xa9: {  	[dreg:$0x3] =	wrdreg s5  }
0xaa: {  	[dreg:$0x4] =	wrdreg $0xC0  }
0xab: {  	_ =	task [dreg:s7], $0x5FFFF  }
0xac: {  	[dreg:$0x1] =	wrdreg $0xFFFFFFFF  }
0xad: {  	[dreg:$0x0] =	wrdreg $0x60  }
0xae: {  	[dreg:$0x2] =	wrdreg s2  }
0xaf: {  	[dreg:$0x3] =	wrdreg s24  }
0xb0: {  	[dreg:$0x4] =	wrdreg $0x9  }
0xb1: {  	_ =	task.clear_ibuf [dreg:s7], $0x5FFFF;
	_ =	strace $0x90000046  }
0xb2: {  	s29 =	simm.s32 $0x9;
	_ =	strace $0x80000048  }
0xb3: {  	_ =	swait.ge [sflag:s29], $0x1  }
0xb4: {  	[sflag:s29] =	ssyncadd.s32 $0xFFFFFFFF  }
0xb5: {  	_ =	strace $0x90000048  }
0xb6: {  	_ =	sfence  }
0xb7: {  	s30 =	sld [smem:$0x0];
	_ =	sdelay $0x2  }
0xb8: {  	s31 =	sshll.u32 s1, $0xD;
	s1 =	sshrl.u32 s1, $0x2  }
0xb9: {  	s3 =	sand.u32 $0x4000, s31;
	s1 =	sadd.s32 s1, s30  }
0xba: {  	s0 =	sor.u32 s3, s0;
	s1 =	sshll.u32 s1, $0x11  }
0xbb: {  	s0 =	sor.u32 s1, s0  }
0xbc: {  	s0 =	sadd.s32 $0x8F2B, s0  }
0xbd: {  	[sflag:s0] =	ssyncadd.remote.s32 $0x1  }
0xbe: {  	_ =	sfence.sel $0xFFFF  }
0xbf: {  	[dreg:$0x0] =	wrdreg $0xFFFFFFFF;
	(pc) =	sbr.abs _section_cstart, $3  }
0xc0: {  	[dreg:$0x1] =	wrdreg $0xFFFFFFFF  }
0xc1: {  	_ =	task.clear_ibuf [dreg:s7], $0x2FFFF;
	_ =	strace $0x9FFFFFFF  }
0xc2: {  	(tm) =	ssettm $0x7FFFFFFF  }
0xc3: {  	_ =	shalt  }
tec
execute0_lowered:
.L_overlay_start_1:
0x0: {  	(tag) =	ssettag $0x1  }
0x1: {  	s1 =	srdreg.scid  }
0x2: {  	s3 =	rddreg [dreg:$0x0];
	s0 =	stileid.u32;
	s16 =	sand.u32 $0x1, s1  }
0x3: {  	s14 =	rddreg [dreg:$0x1];
	s4 =	sshll.u32 s0, $0xA;
	s5 =	sshll.u32 s16, $0x9  }
0x4: {  	s2 =	simm.s32 $0x0;
	s1 =	rddreg [dreg:$0x2];
	s15 =	sor.u32 s5, s4  }
0x5: {  	[smem:$0x7FF] =	sst s2;
	s4 =	sshrl.u32 s15, $0x3  }
0x6: {  	_ =	strace $0x80000047;
	s4 =	sadd.s32 s3, s4;
	s3 =	simm.s32 $0x3  }
0x7: {  	[tilespmem:s2], [sflag:$0x3] =	stream.linear.gather [hbm4b:s4+s2], $0x200, $0x38;
	[tilespmem:$0x10200] =	vst v63  }
0x8: {  	_ =	swait.ge [sflag:s3], $0x200  }
0x9: {  	s6 =	simm.s32 $0x80;
	[sflag:s3] =	ssyncset.done $0x0  }
0xa: {  	s7 =	simm.s32 $0x200;
	s5 =	sadd.s32 $0x1600, s14;
	[sflag:s3] =	ssyncadd.s32 $0xFFFFFE00  }
0xb: {  	[tilespmem:s7], [sflag:$0x1] =	stream.indirect.gather [hbm4b:s5+s6], $0x80, s2, s6, $0xb8;
	[tilespmem:$0x10200] =	vst v63  }
0xc: {  	s8 =	simm.s32 $0x4200  }
0xd: {  	[tilespmem:s8], [sflag:$0x1] =	stream.indirect.gather [hbm4b:s5+s6], $0x80, s6, s6, $0xb8;
	[tilespmem:$0x10200] =	vst v63  }
0xe: {  	s9 =	simm.s32 $0x100;
	s10 =	simm.s32 $0x8200  }
0xf: {  	[tilespmem:s10], [sflag:$0x2] =	stream.indirect.gather [hbm4b:s5+s6], $0x80, s9, s6, $0xb8;
	[tilespmem:$0x10200] =	vst v63  }
0x10: {  	s11 =	simm.s32 $0x180;
	s12 =	simm.s32 $0xC200;
	s13 =	simm.s32 $0x1  }
0x11: {  	[tilespmem:s12], [sflag:$0x2] =	stream.indirect.gather [hbm4b:s5+s6], $0x80, s11, s6, $0xb8;
	[tilespmem:$0x10200] =	vst v63  }
0x12: {  	_ =	swait.ge [sflag:s13], $0x4000  }
0x13: {  	[sflag:s13] =	ssyncset.done $0x0  }
0x14: {  	[sflag:s13] =	ssyncadd.s32 $0xFFFFC000  }
0x15: {  	s15 =	sshll.u32 s15, $0x4;
	_ =	swait.ge [sflag:s13], $0x4000  }
0x16: {  	s17 =	sadd.s32 s15, s14;
	[sflag:s13] =	ssyncset.done $0x0  }
0x17: {  	s14 =	sadd.s32 $0x188000, s17;
	[sflag:s13] =	ssyncadd.s32 $0xFFFFC000  }
0x18: {  	[hbm4b:s14+s2] =	stream.linear.scatter [tilespmem:s7], [sflag:$0x3], $0x8000, $0x38;
	[tilespmem:$0x10200] =	vst v63  }
0x19: {  	_ =	swait.ge [sflag:s3], $0x8000  }
0x1a: {  	[sflag:s3] =	ssyncset.done $0x0  }
0x1b: {  	s16 =	ssub.s32 $0x2, s16;
	s15 =	simm.s32 $0x2;
	[sflag:s3] =	ssyncadd.s32 $0xFFFF8000  }
0x1c: {  	s18 =	sshrl.u32 s16, $0x1;
	_ =	swait.ge [sflag:s15], $0x4000  }
0x1d: {  	s18 =	ssub.s32 s16, s18;
	[sflag:s15] =	ssyncset.done $0x0  }
0x1e: {  	s31 =	smax.u32 s18, $0x1;
	[sflag:s15] =	ssyncadd.s32 $0xFFFFC000  }
0x1f: {  	p0 =	sne.s32 s31, $0x1;
	_ =	swait.ge [sflag:s15], $0x4000  }
.Ltmp0:
0x20: {  	[sflag:s15] =	ssyncset.done $0x0;
	(pc) =	sbr.rel @!p0 .LBB2_2-.Ltmp0, $4  }
0x21: {  	s16 =	sadd.s32 $0x189000, s17;
	[sflag:s15] =	ssyncadd.s32 $0xFFFFC000  }
0x22: {  	[hbm4b:s16+s2] =	stream.linear.scatter [tilespmem:s10], [sflag:$0x3], $0x8000, $0x38;
	[tilespmem:$0x10200] =	vst v63  }
0x23: {  	_ =	swait.ge [sflag:s3], $0x8000  }
0x24: {  	s17 =	sadd.s32 $0xFFFFFFFF, s31;
	[sflag:s3] =	ssyncset.done $0x0  }
.LBB2_1:
0x25: {  	p0 =	sne.s32 s17, $0x1;
	s17 =	sadd.s32 $0xFFFFFFFF, s17;
	[sflag:s3] =	ssyncadd.s32 $0xFFFF8000  }
0x26: {  	[tilespmem:s2], [sflag:$0x3] =	stream.linear.gather [hbm4b:s4+s2], $0x200, $0x38;
	[tilespmem:$0x10200] =	vst v63  }
0x27: {  	_ =	swait.ge [sflag:s3], $0x200  }
0x28: {  	[sflag:s3] =	ssyncset.done $0x0  }
0x29: {  	[sflag:s3] =	ssyncadd.s32 $0xFFFFFE00  }
0x2a: {  	[tilespmem:s7], [sflag:$0x1] =	stream.indirect.gather [hbm4b:s5+s6], $0x80, s2, s6, $0xb8;
	[tilespmem:$0x10200] =	vst v63  }
0x2b: {  	_ = 	snop  }
0x2c: {  	[tilespmem:s8], [sflag:$0x1] =	stream.indirect.gather [hbm4b:s5+s6], $0x80, s6, s6, $0xb8;
	[tilespmem:$0x10200] =	vst v63  }
0x2d: {  	_ = 	snop  }
0x2e: {  	[tilespmem:s10], [sflag:$0x2] =	stream.indirect.gather [hbm4b:s5+s6], $0x80, s9, s6, $0xb8;
	[tilespmem:$0x10200] =	vst v63  }
0x2f: {  	_ = 	snop  }
0x30: {  	[tilespmem:s12], [sflag:$0x2] =	stream.indirect.gather [hbm4b:s5+s6], $0x80, s11, s6, $0xb8;
	[tilespmem:$0x10200] =	vst v63  }
0x31: {  	_ =	swait.ge [sflag:s13], $0x4000  }
0x32: {  	[sflag:s13] =	ssyncset.done $0x0  }
0x33: {  	[sflag:s13] =	ssyncadd.s32 $0xFFFFC000  }
0x34: {  	_ =	swait.ge [sflag:s13], $0x4000  }
0x35: {  	[sflag:s13] =	ssyncset.done $0x0  }
0x36: {  	[sflag:s13] =	ssyncadd.s32 $0xFFFFC000  }
0x37: {  	[hbm4b:s14+s2] =	stream.linear.scatter [tilespmem:s7], [sflag:$0x3], $0x8000, $0x38;
	[tilespmem:$0x10200] =	vst v63  }
0x38: {  	_ =	swait.ge [sflag:s3], $0x8000  }
0x39: {  	[sflag:s3] =	ssyncset.done $0x0  }
0x3a: {  	[sflag:s3] =	ssyncadd.s32 $0xFFFF8000  }
0x3b: {  	_ =	swait.ge [sflag:s15], $0x4000  }
0x3c: {  	[sflag:s15] =	ssyncset.done $0x0  }
0x3d: {  	[sflag:s15] =	ssyncadd.s32 $0xFFFFC000  }
0x3e: {  	_ =	swait.ge [sflag:s15], $0x4000  }
.Ltmp1:
0x3f: {  	[sflag:s15] =	ssyncset.done $0x0;
	(pc) =	sbr.rel @p0 .LBB2_1-.Ltmp1, $4  }
0x40: {  	[sflag:s15] =	ssyncadd.s32 $0xFFFFC000  }
0x41: {  	[hbm4b:s16+s2] =	stream.linear.scatter [tilespmem:s10], [sflag:$0x3], $0x8000, $0x38;
	[tilespmem:$0x10200] =	vst v63  }
0x42: {  	_ =	swait.ge [sflag:s3], $0x8000  }
0x43: {  	[sflag:s3] =	ssyncset.done $0x0  }
.LBB2_2:
0x44: {  	[sflag:s3] =	ssyncadd.s32 $0xFFFF8000  }
0x45: {  	_ =	sfence.sel $0x180000  }
0x46: {  	[bflag:$0x0] =	sbarrier.arrive $0xFFFF  }
0x47: {  	p0 =	sne.s32 s0, $0x0;
	_ =	strace $0x90000047  }
0x48: {  	s0 =	sadd.s32 @!p0 $0x100000, s1;
	[bflag:$0x2] =	sbarrier.arrive $0xFFFF  }
0x49: {  	[sflag:s0] =	ssyncadd.tile.s32 @!p0 $0x1;
	_ =	shalt  }
.Lfunc_end2:
_tile_overlayer_lowered:
.L_overlay_start_2:
0x4a: {  	(tag) =	ssettag $0x2  }
0x4b: {  	s0 =	rddreg [dreg:$0x0];
	s2 =	stileid.u32  }
0x4c: {  	s1 =	rddreg [dreg:$0x1];
	p0 =	sne.s32 s2, $0x0  }
0x4d: {  	s3 =	rddreg [dreg:$0x2];
	[bflag:$0x3] =	sbarrier.arrive $0xFFFF;
	s2 =	simm.s32 @!p0 $0x1C03  }
0x4e: {  	[timem:s3], [sflag:s2] =	dma.local @!p0 [hbm:s0], s1  }
0x4f: {  	s0 =	simm.s32 @!p0 $0x3  }
0x50: {  	_ =	swait.ge @!p0 [sflag:s0], s1  }
0x51: {  	s1 =	ssub.s32 @!p0 $0x0, s1;
	[sflag:s0] =	ssyncset.done @!p0 $0x0  }
0x52: {  	[sflag:s0] =	ssyncadd.s32 @!p0 s1  }
0x53: {  	[bflag:$0x3] =	sbarrier.arrive $0xFFFF  }
0x54: {  	_ =	shalt  }

</sc_bundles>
